<compile_context>
chip_gen: v7x
topology: tpu7x:2x2x1
jax: 0.10.2.dev20260603
libtpu: 0.0.44.dev20260713+nightly
codegen_flags: <defaults>
</compile_context>

<pallas_src>
import jax
import jax.numpy as jnp
from jax import lax
from jax.experimental import pallas as pl
from jax.experimental.pallas import tpu as pltpu
from jax.experimental.pallas import tpu_sc as plsc

B, P, G = 16, 1250, 50
L = 16
PP = 1280
HW = PP // 2
HCH = HW // L
LABW = 8
SCALE = 512.0
IOU_THRESH = 0.5
INVALID = 64


def _body(out_hbm, lab_hbm, corr_hbm, sc_hbm, cl_hbm,
          pcol, labv, gtab, codebuf, codefull, corrbuf, sbuf, cbuf, scode):
    c = lax.axis_index("c")
    s = lax.axis_index("s")
    p = s & 7
    half = s >> 3
    b = c * 8 + p

    pltpu.sync_copy(out_hbm.at[:, b, pl.ds(half * HW, HW)], pcol)
    pltpu.sync_copy(lab_hbm.at[b], labv)

    neg_inf = jnp.full((L,), -jnp.inf, jnp.float32)
    zero_i = jnp.zeros((L,), jnp.int32)

    @plsc.parallel_loop(0, G)
    def gprep(g):
        row = labv[pl.ds(g * LABW, L)]
        gx1 = row[0] * SCALE
        gy1 = row[1] * SCALE
        gx2 = row[2] * SCALE
        gy2 = row[3] * SCALE
        off = g * L
        gtab[pl.ds(off, L)] = jnp.full((L,), gx1)
        gtab[pl.ds(G * L + off, L)] = jnp.full((L,), gy1)
        gtab[pl.ds(2 * G * L + off, L)] = jnp.full((L,), gx2)
        gtab[pl.ds(3 * G * L + off, L)] = jnp.full((L,), gy2)
        gtab[pl.ds(4 * G * L + off, L)] = jnp.full((L,), row[4])
        gtab[pl.ds(5 * G * L + off, L)] = jnp.full((L,), (gx2 - gx1) * (gy2 - gy1))

    @plsc.parallel_loop(0, HCH // 2)
    def chunk(ci):
        base_a = ci * (2 * L)
        base_b = base_a + L

        def ldcols(base):
            x1 = pcol[0, pl.ds(base, L)] * SCALE
            y1 = pcol[1, pl.ds(base, L)] * SCALE
            x2 = pcol[2, pl.ds(base, L)] * SCALE
            y2 = pcol[3, pl.ds(base, L)] * SCALE
            score = pcol[4, pl.ds(base, L)]
            pcl = pcol[5, pl.ds(base, L)]
            area = (x2 - x1) * (y2 - y1)
            return x1, y1, x2, y2, score, pcl, area

        ax1, ay1, ax2, ay2, ascore, apcl, aarea = ldcols(base_a)
        bx1, by1, bx2, by2, bscore, bpcl, barea = ldcols(base_b)

        def gstep(g, st):
            best_a, bg_a, best_b, bg_b = st
            off = g * L
            gx1 = gtab[pl.ds(off, L)]
            gy1 = gtab[pl.ds(G * L + off, L)]
            gx2 = gtab[pl.ds(2 * G * L + off, L)]
            gy2 = gtab[pl.ds(3 * G * L + off, L)]
            gcl = gtab[pl.ds(4 * G * L + off, L)]
            ga = gtab[pl.ds(5 * G * L + off, L)]

            def upd1(x1, y1, x2, y2, pcl, parea, best, bg):
                w = jnp.maximum(jnp.minimum(x2, gx2) - jnp.maximum(x1, gx1), 0.0)
                h = jnp.maximum(jnp.minimum(y2, gy2) - jnp.maximum(y1, gy1), 0.0)
                inter = w * h
                union = parea + ga - inter
                iou = inter / union
                upd = (pcl == gcl) & (iou > best)
                return jnp.where(upd, iou, best), jnp.where(upd, g, bg)

            best_a, bg_a = upd1(ax1, ay1, ax2, ay2, apcl, aarea, best_a, bg_a)
            best_b, bg_b = upd1(bx1, by1, bx2, by2, bpcl, barea, best_b, bg_b)
            return best_a, bg_a, best_b, bg_b

        best_a, bg_a, best_b, bg_b = lax.fori_loop(
            0, G, gstep, (neg_inf, zero_i, neg_inf, zero_i), unroll=10)

        va = (best_a > IOU_THRESH) & (ascore > 0.0)
        vb = (best_b > IOU_THRESH) & (bscore > 0.0)
        codebuf[pl.ds(base_a, L)] = jnp.where(va, bg_a, INVALID)
        codebuf[pl.ds(base_b, L)] = jnp.where(vb, bg_b, INVALID)
        sbuf[pl.ds(base_a, L)] = jnp.where(ascore > 0.0, ascore, 0.0)
        sbuf[pl.ds(base_b, L)] = jnp.where(bscore > 0.0, bscore, 0.0)
        cbuf[pl.ds(base_a, L)] = jnp.where(ascore > 0.0, apcl, 0.0)
        cbuf[pl.ds(base_b, L)] = jnp.where(bscore > 0.0, bpcl, 0.0)

    pltpu.sync_copy(codebuf, scode.at[p, pl.ds(half * HW, HW)])
    pltpu.sync_copy(sbuf, sc_hbm.at[b, pl.ds(half * HW, HW)])
    pltpu.sync_copy(cbuf, cl_hbm.at[b, pl.ds(half * HW, HW)])
    plsc.subcore_barrier()

    @pl.when(half == 0)
    def _():
        pltpu.sync_copy(scode.at[p], codefull)

        def dchunk(ci, carry):
            lo, hi = carry
            base = ci * L
            code_r = lax.rev(codefull[pl.ds(base, L)], (0,))
            gg_r = code_r & 31
            islo_r = code_r < 32
            word_r = jnp.where(islo_r, lo, hi)
            det_r = ((word_r >> gg_r) & 1) == 1
            cand_r = (code_r < INVALID) & jnp.logical_not(det_r)
            _, last_r = plsc.scan_count(code_r, cand_r)
            win_r = last_r & cand_r
            bits_r = jnp.where(win_r, 1 << gg_r, 0)
            lo = lo | jnp.sum(jnp.where(islo_r, bits_r, 0))
            hi = hi | jnp.sum(jnp.where(islo_r, 0, bits_r))
            corrbuf[pl.ds(base, L)] = lax.rev(jnp.where(win_r, 1, 0), (0,))
            return lo, hi

        lax.fori_loop(0, 2 * HCH, dchunk, (jnp.int32(0), jnp.int32(0)))
        pltpu.sync_copy(corrbuf, corr_hbm.at[b])


_mbe_sc = pl.kernel(
    _body,
    out_type=(
        jax.ShapeDtypeStruct((B, PP), jnp.int32),
        jax.ShapeDtypeStruct((B, PP), jnp.float32),
        jax.ShapeDtypeStruct((B, PP), jnp.float32),
    ),
    mesh=plsc.VectorSubcoreMesh(core_axis_name="c", subcore_axis_name="s"),
    compiler_params=pltpu.CompilerParams(needs_layout_passes=False),
    scratch_types=[
        pltpu.VMEM((6, HW), jnp.float32),
        pltpu.VMEM((G * LABW + LABW,), jnp.float32),
        pltpu.VMEM((6 * G * L,), jnp.float32),
        pltpu.VMEM((HW,), jnp.int32),
        pltpu.VMEM((PP,), jnp.int32),
        pltpu.VMEM((PP,), jnp.int32),
        pltpu.VMEM((HW,), jnp.float32),
        pltpu.VMEM((HW,), jnp.float32),
        pltpu.VMEM_SHARED((8, PP), jnp.int32),
    ],
)


def kernel(output, labels):
    out_p = jnp.pad(output, ((0, 0), (0, PP - P), (0, 0)))
    out_t = jnp.transpose(out_p, (2, 0, 1))
    lab_p = jnp.pad(labels, ((0, 0), (0, 1), (0, LABW - 5)))
    lab_flat = lab_p.reshape(B, (G + 1) * LABW)
    corr, scores, cls_out = _mbe_sc(out_t, lab_flat)
    tcls = labels[:, :, 4].astype(jnp.float32)
    return (corr[:, :P], scores[:, :P], cls_out[:, :P], tcls)

# --- scband reference (transcript-rebuilt; emitter-appended) ---
"""Pipeline reference for scband-multi-box-eval-67937792688195 (READ-ONLY COPY).

The authoritative reference and input builder live on the scoring server;
editing this copy changes nothing except your own understanding.
"""

import jax, jax.numpy as jnp
import numpy as np

WIDTH = 512
HEIGHT = 512
IOU_THRESH = 0.5


def jaccard(a, b):
    # a: [N,4], b: [M,4] in (x1,y1,x2,y2)
    lt = jnp.maximum(a[:, None, :2], b[None, :, :2])
    rb = jnp.minimum(a[:, None, 2:], b[None, :, 2:])
    wh = jnp.clip(rb - lt, 0.0, None)
    inter = wh[..., 0] * wh[..., 1]
    area_a = (a[:, 2] - a[:, 0]) * (a[:, 3] - a[:, 1])
    area_b = (b[:, 2] - b[:, 0]) * (b[:, 3] - b[:, 1])
    union = area_a[:, None] + area_b[None, :] - inter
    return inter / union


def setup_inputs(seed: int = 0) -> dict:
    key = jax.random.key(seed)
    ks = jax.random.split(key, 7)
    B, P, G = 16, 1250, 50
    pxy = jax.random.uniform(ks[0], (B, P, 2), minval=0.0, maxval=0.8)
    pwh = jax.random.uniform(ks[1], (B, P, 2), minval=0.05, maxval=0.2)
    pscore = jax.random.uniform(ks[2], (B, P, 1), minval=0.01, maxval=1.0)
    pcls = jnp.floor(jax.random.uniform(ks[3], (B, P, 1)) * 20.0)
    output = jnp.concatenate([pxy, pxy + pwh, pscore, pcls], axis=-1).astype(jnp.float32)
    gxy = jax.random.uniform(ks[4], (B, G, 2), minval=0.0, maxval=0.8)
    gwh = jax.random.uniform(ks[5], (B, G, 2), minval=0.05, maxval=0.2)
    gcls = jnp.floor(jax.random.uniform(ks[6], (B, G, 1)) * 20.0)
    labels = jnp.concatenate([gxy, gxy + gwh, gcls], axis=-1).astype(jnp.float32)
    return {"output": output, "labels": labels}


def reference(output, labels):
    B, P, _ = output.shape
    G = labels.shape[1]
    scale = jnp.array([WIDTH, HEIGHT, WIDTH, HEIGHT], dtype=output.dtype)

    def per_image(out_i, lab_i):
        mask = out_i[:, 4] > 0
        tcls = lab_i[:, 4]
        tboxes = lab_i[:, :4] * scale
        pboxes = out_i[:, :4] * scale
        pcls = out_i[:, 5]
        ious = jaccard(pboxes, tboxes)

        def body(carry, xs):
            detected, count = carry
            m_i, pc, iou_row = xs
            match = tcls == pc
            exists = jnp.any(match)
            masked = jnp.where(match, iou_row, -jnp.inf)
            bi = jnp.argmax(masked)
            good = (exists
                    & (masked[bi] > IOU_THRESH)
                    & jnp.logical_not(detected[bi])
                    & (count < G)
                    & m_i)
            detected = detected.at[bi].set(detected[bi] | good)
            count = count + good.astype(jnp.int32)
            return (detected, count), good.astype(jnp.int32)

        init = (jnp.zeros((G,), dtype=bool), jnp.int32(0))
        _, correct = jax.lax.scan(body, init, (mask, pcls, ious))
        scores = jnp.where(mask, out_i[:, 4], 0.0).astype(jnp.float32)
        cls_out = jnp.where(mask, pcls, 0.0).astype(jnp.float32)
        return correct, scores, cls_out, tcls.astype(jnp.float32)

    correct_all, scores_all, cls_all, tcls_all = jax.vmap(per_image)(output, labels)
    return (correct_all, scores_all, cls_all, tcls_all)

if __name__ == "__main__":
    import jax
    _d = setup_inputs()
    print(jax.jit(kernel)(*tuple(_d.values())))

</pallas_src>

<mosaic_0001>
#map = affine_map<(d0, d1) -> (0, 0, 0)>
#map1 = affine_map<(d0, d1) -> (0, 0)>
module attributes {stable_mosaic.version = 14 : i64} {
  func.func @_body(%arg0: i32, %arg1: i32, %arg2: memref<6x16x1280xf32, #tpu.memory_space<hbm>>, %arg3: memref<16x408xf32, #tpu.memory_space<hbm>>, %arg4: memref<16x1280xi32, #tpu.memory_space<hbm>>, %arg5: memref<16x1280xf32, #tpu.memory_space<hbm>>, %arg6: memref<16x1280xf32, #tpu.memory_space<hbm>>, %arg7: memref<6x640xf32, #tpu.memory_space<vmem>>, %arg8: memref<408xf32, #tpu.memory_space<vmem>>, %arg9: memref<4800xf32, #tpu.memory_space<vmem>>, %arg10: memref<640xi32, #tpu.memory_space<vmem>>, %arg11: memref<1280xi32, #tpu.memory_space<vmem>>, %arg12: memref<1280xi32, #tpu.memory_space<vmem>>, %arg13: memref<640xf32, #tpu.memory_space<vmem>>, %arg14: memref<640xf32, #tpu.memory_space<vmem>>, %arg15: memref<8x1280xi32, #tpu.memory_space<vmem_shared>>) attributes {dimension_semantics = [#tpu.dimension_semantics<core_parallel>, #tpu.dimension_semantics<subcore_parallel>], iteration_bounds = array<i64: 2, 16>, scalar_prefetch = 0 : i64, scratch_operands = 9 : i64, tpu.core_type = #tpu.core_type<sc_vector_subcore>, window_params = [{transform_indices = #map}, {transform_indices = #map1}, {transform_indices = #map1}, {transform_indices = #map1}, {transform_indices = #map1}]} {
    %and3A = arith.constant 7 : i32
    %and3A_0 = arith.andi %arg1, %and3A : i32
    %shift_right_arithmetic3A = arith.constant 3 : i32
    %shift_right_arithmetic3A_1 = arith.shrsi %arg1, %shift_right_arithmetic3A : i32
    %mul3A = arith.constant 8 : i32
    %mul3A_2 = arith.muli %arg0, %mul3A : i32
    %add3A = arith.addi %mul3A_2, %and3A_0 : i32
    %mul3A_3 = arith.constant 640 : i32
    %mul3A_4 = arith.muli %shift_right_arithmetic3A_1, %mul3A_3 : i32
    "tpu.region"() ({
      %run_scoped3A = tpu.sem_alloc : memref<!tpu.dma_semaphore, #tpu.memory_space<semaphore_mem>>
      %dma_start3A = arith.constant 0 : i32
      %dma_start3A_21 = tpu.memref_slice %arg2[%dma_start3A, %add3A, %mul3A_4] : memref<6x16x1280xf32, #tpu.memory_space<hbm>> -> memref<6x1x640xf32, #tpu.memory_space<hbm>>
      %dma_start3A_22 = tpu.memref_squeeze %dma_start3A_21 : memref<6x1x640xf32, #tpu.memory_space<hbm>> -> memref<6x640xf32, #tpu.memory_space<hbm>>
      %dma_start3A_23 = arith.constant 0 : i32
      %dma_start3A_24 = tpu.memref_slice %arg2[%dma_start3A_23, %add3A, %mul3A_4] : memref<6x16x1280xf32, #tpu.memory_space<hbm>> -> memref<6x1x640xf32, #tpu.memory_space<hbm>>
      %dma_start3A_25 = tpu.memref_squeeze %dma_start3A_24 : memref<6x1x640xf32, #tpu.memory_space<hbm>> -> memref<6x640xf32, #tpu.memory_space<hbm>>
      tpu.enqueue_dma source(%dma_start3A_25 : memref<6x640xf32, #tpu.memory_space<hbm>>) target(%arg7 : memref<6x640xf32, #tpu.memory_space<vmem>>) target_semaphore(%run_scoped3A : memref<!tpu.dma_semaphore, #tpu.memory_space<semaphore_mem>>)
      %dma_wait3A = arith.constant 0 : i32
      %dma_wait3A_26 = tpu.memref_slice %arg2[%dma_wait3A, %add3A, %mul3A_4] : memref<6x16x1280xf32, #tpu.memory_space<hbm>> -> memref<6x1x640xf32, #tpu.memory_space<hbm>>
      %dma_wait3A_27 = tpu.memref_squeeze %dma_wait3A_26 : memref<6x1x640xf32, #tpu.memory_space<hbm>> -> memref<6x640xf32, #tpu.memory_space<hbm>>
      %dma_wait3A_28 = arith.constant 0 : i32
      %dma_wait3A_29 = tpu.memref_slice %arg2[%dma_wait3A_28, %add3A, %mul3A_4] : memref<6x16x1280xf32, #tpu.memory_space<hbm>> -> memref<6x1x640xf32, #tpu.memory_space<hbm>>
      %dma_wait3A_30 = tpu.memref_squeeze %dma_wait3A_29 : memref<6x1x640xf32, #tpu.memory_space<hbm>> -> memref<6x640xf32, #tpu.memory_space<hbm>>
      tpu.wait_dma2 semaphore(%run_scoped3A : memref<!tpu.dma_semaphore, #tpu.memory_space<semaphore_mem>>) src(%dma_wait3A_30 : memref<6x640xf32, #tpu.memory_space<hbm>>) dst(%arg7 : memref<6x640xf32, #tpu.memory_space<vmem>>)
      tpu.yield
    }) : () -> ()
    "tpu.region"() ({
      %run_scoped3A = tpu.sem_alloc : memref<!tpu.dma_semaphore, #tpu.memory_space<semaphore_mem>>
      %dma_start3A = arith.constant 0 : i32
      %dma_start3A_21 = tpu.memref_slice %arg3[%add3A, %dma_start3A] : memref<16x408xf32, #tpu.memory_space<hbm>> -> memref<1x408xf32, #tpu.memory_space<hbm>>
      %dma_start3A_22 = tpu.memref_squeeze %dma_start3A_21 : memref<1x408xf32, #tpu.memory_space<hbm>> -> memref<408xf32, #tpu.memory_space<hbm>>
      %dma_start3A_23 = arith.constant 0 : i32
      %dma_start3A_24 = tpu.memref_slice %arg3[%add3A, %dma_start3A_23] : memref<16x408xf32, #tpu.memory_space<hbm>> -> memref<1x408xf32, #tpu.memory_space<hbm>>
      %dma_start3A_25 = tpu.memref_squeeze %dma_start3A_24 : memref<1x408xf32, #tpu.memory_space<hbm>> -> memref<408xf32, #tpu.memory_space<hbm>>
      tpu.enqueue_dma source(%dma_start3A_25 : memref<408xf32, #tpu.memory_space<hbm>>) target(%arg8 : memref<408xf32, #tpu.memory_space<vmem>>) target_semaphore(%run_scoped3A : memref<!tpu.dma_semaphore, #tpu.memory_space<semaphore_mem>>)
      %dma_wait3A = arith.constant 0 : i32
      %dma_wait3A_26 = tpu.memref_slice %arg3[%add3A, %dma_wait3A] : memref<16x408xf32, #tpu.memory_space<hbm>> -> memref<1x408xf32, #tpu.memory_space<hbm>>
      %dma_wait3A_27 = tpu.memref_squeeze %dma_wait3A_26 : memref<1x408xf32, #tpu.memory_space<hbm>> -> memref<408xf32, #tpu.memory_space<hbm>>
      %dma_wait3A_28 = arith.constant 0 : i32
      %dma_wait3A_29 = tpu.memref_slice %arg3[%add3A, %dma_wait3A_28] : memref<16x408xf32, #tpu.memory_space<hbm>> -> memref<1x408xf32, #tpu.memory_space<hbm>>
      %dma_wait3A_30 = tpu.memref_squeeze %dma_wait3A_29 : memref<1x408xf32, #tpu.memory_space<hbm>> -> memref<408xf32, #tpu.memory_space<hbm>>
      tpu.wait_dma2 semaphore(%run_scoped3A : memref<!tpu.dma_semaphore, #tpu.memory_space<semaphore_mem>>) src(%dma_wait3A_30 : memref<408xf32, #tpu.memory_space<hbm>>) dst(%arg8 : memref<408xf32, #tpu.memory_space<vmem>>)
      tpu.yield
    }) : () -> ()
    %broadcast_in_dim3A = arith.constant 0xFF800000 : f32
    %broadcast_in_dim3A_5 = vector.broadcast %broadcast_in_dim3A : f32 to vector<16xf32>
    %broadcast_in_dim3A_6 = arith.constant 0 : i32
    %broadcast_in_dim3A_7 = vector.broadcast %broadcast_in_dim3A_6 : i32 to vector<16xi32>
    %parallel_loop3A = arith.constant 0 : i32
    %parallel_loop3A_8 = arith.constant 50 : i32
    %parallel_loop3A_9 = arith.constant 1 : i32
    scf.for %parallel_loop3A_21 = %parallel_loop3A to %parallel_loop3A_8 step %parallel_loop3A_9  : i32 {
      %parallel_loop3A_22 = arith.constant 8 : i32
      %parallel_loop3A_23 = arith.muli %parallel_loop3A_21, %parallel_loop3A_22 : i32
      %parallel_loop3A_24 = arith.index_cast %parallel_loop3A_23 : i32 to index
      %parallel_loop3A_25 = tpu.vector_load %arg8[%parallel_loop3A_24] {strides = array<i32>} : memref<408xf32, #tpu.memory_space<vmem>>, vector<16xf32>,
      %parallel_loop3A_26 = vector.extract_strided_slice %parallel_loop3A_25 {offsets = [0], sizes = [1], strides = [1]} : vector<16xf32> to vector<1xf32>
      %parallel_loop3A_27 = vector.extract %parallel_loop3A_26[0] : f32 from vector<1xf32>
      %parallel_loop3A_28 = arith.constant 5.120000e+02 : f32
      %parallel_loop3A_29 = arith.mulf %parallel_loop3A_27, %parallel_loop3A_28 : f32
      %parallel_loop3A_30 = vector.extract_strided_slice %parallel_loop3A_25 {offsets = [1], sizes = [1], strides = [1]} : vector<16xf32> to vector<1xf32>
      %parallel_loop3A_31 = vector.extract %parallel_loop3A_30[0] : f32 from vector<1xf32>
      %parallel_loop3A_32 = arith.constant 5.120000e+02 : f32
      %parallel_loop3A_33 = arith.mulf %parallel_loop3A_31, %parallel_loop3A_32 : f32
      %parallel_loop3A_34 = vector.extract_strided_slice %parallel_loop3A_25 {offsets = [2], sizes = [1], strides = [1]} : vector<16xf32> to vector<1xf32>
      %parallel_loop3A_35 = vector.extract %parallel_loop3A_34[0] : f32 from vector<1xf32>
      %parallel_loop3A_36 = arith.constant 5.120000e+02 : f32
      %parallel_loop3A_37 = arith.mulf %parallel_loop3A_35, %parallel_loop3A_36 : f32
      %parallel_loop3A_38 = vector.extract_strided_slice %parallel_loop3A_25 {offsets = [3], sizes = [1], strides = [1]} : vector<16xf32> to vector<1xf32>
      %parallel_loop3A_39 = vector.extract %parallel_loop3A_38[0] : f32 from vector<1xf32>
      %parallel_loop3A_40 = arith.constant 5.120000e+02 : f32
      %parallel_loop3A_41 = arith.mulf %parallel_loop3A_39, %parallel_loop3A_40 : f32
      %parallel_loop3A_42 = arith.constant 16 : i32
      %parallel_loop3A_43 = arith.muli %parallel_loop3A_21, %parallel_loop3A_42 : i32
      %parallel_loop3A_44 = vector.broadcast %parallel_loop3A_29 : f32 to vector<16xf32>
      %parallel_loop3A_45 = arith.index_cast %parallel_loop3A_43 : i32 to index
      %parallel_loop3A_46 = tpu.vector_load %arg9[%parallel_loop3A_45] {strides = array<i32>} : memref<4800xf32, #tpu.memory_space<vmem>>, vector<16xf32>,
      tpu.vector_store %arg9[%parallel_loop3A_45], %parallel_loop3A_44 {strides = array<i32>} : memref<4800xf32, #tpu.memory_space<vmem>>, vector<16xf32>,
      %parallel_loop3A_47 = vector.broadcast %parallel_loop3A_33 : f32 to vector<16xf32>
      %parallel_loop3A_48 = arith.constant 800 : i32
      %parallel_loop3A_49 = arith.addi %parallel_loop3A_48, %parallel_loop3A_43 : i32
      %parallel_loop3A_50 = arith.index_cast %parallel_loop3A_49 : i32 to index
      %parallel_loop3A_51 = tpu.vector_load %arg9[%parallel_loop3A_50] {strides = array<i32>} : memref<4800xf32, #tpu.memory_space<vmem>>, vector<16xf32>,
      tpu.vector_store %arg9[%parallel_loop3A_50], %parallel_loop3A_47 {strides = array<i32>} : memref<4800xf32, #tpu.memory_space<vmem>>, vector<16xf32>,
      %parallel_loop3A_52 = vector.broadcast %parallel_loop3A_37 : f32 to vector<16xf32>
      %parallel_loop3A_53 = arith.constant 1600 : i32
      %parallel_loop3A_54 = arith.addi %parallel_loop3A_53, %parallel_loop3A_43 : i32
      %parallel_loop3A_55 = arith.index_cast %parallel_loop3A_54 : i32 to index
      %parallel_loop3A_56 = tpu.vector_load %arg9[%parallel_loop3A_55] {strides = array<i32>} : memref<4800xf32, #tpu.memory_space<vmem>>, vector<16xf32>,
      tpu.vector_store %arg9[%parallel_loop3A_55], %parallel_loop3A_52 {strides = array<i32>} : memref<4800xf32, #tpu.memory_space<vmem>>, vector<16xf32>,
      %parallel_loop3A_57 = vector.broadcast %parallel_loop3A_41 : f32 to vector<16xf32>
      %parallel_loop3A_58 = arith.constant 2400 : i32
      %parallel_loop3A_59 = arith.addi %parallel_loop3A_58, %parallel_loop3A_43 : i32
      %parallel_loop3A_60 = arith.index_cast %parallel_loop3A_59 : i32 to index
      %parallel_loop3A_61 = tpu.vector_load %arg9[%parallel_loop3A_60] {strides = array<i32>} : memref<4800xf32, #tpu.memory_space<vmem>>, vector<16xf32>,
      tpu.vector_store %arg9[%parallel_loop3A_60], %parallel_loop3A_57 {strides = array<i32>} : memref<4800xf32, #tpu.memory_space<vmem>>, vector<16xf32>,
      %parallel_loop3A_62 = vector.extract_strided_slice %parallel_loop3A_25 {offsets = [4], sizes = [1], strides = [1]} : vector<16xf32> to vector<1xf32>
      %parallel_loop3A_63 = vector.extract %parallel_loop3A_62[0] : f32 from vector<1xf32>
      %parallel_loop3A_64 = vector.broadcast %parallel_loop3A_63 : f32 to vector<16xf32>
      %parallel_loop3A_65 = arith.constant 3200 : i32
      %parallel_loop3A_66 = arith.addi %parallel_loop3A_65, %parallel_loop3A_43 : i32
      %parallel_loop3A_67 = arith.index_cast %parallel_loop3A_66 : i32 to index
      %parallel_loop3A_68 = tpu.vector_load %arg9[%parallel_loop3A_67] {strides = array<i32>} : memref<4800xf32, #tpu.memory_space<vmem>>, vector<16xf32>,
      tpu.vector_store %arg9[%parallel_loop3A_67], %parallel_loop3A_64 {strides = array<i32>} : memref<4800xf32, #tpu.memory_space<vmem>>, vector<16xf32>,
      %parallel_loop3A_69 = arith.subf %parallel_loop3A_37, %parallel_loop3A_29 : f32
      %parallel_loop3A_70 = arith.subf %parallel_loop3A_41, %parallel_loop3A_33 : f32
      %parallel_loop3A_71 = arith.mulf %parallel_loop3A_69, %parallel_loop3A_70 : f32
      %parallel_loop3A_72 = vector.broadcast %parallel_loop3A_71 : f32 to vector<16xf32>
      %parallel_loop3A_73 = arith.constant 4000 : i32
      %parallel_loop3A_74 = arith.addi %parallel_loop3A_73, %parallel_loop3A_43 : i32
      %parallel_loop3A_75 = arith.index_cast %parallel_loop3A_74 : i32 to index
      %parallel_loop3A_76 = tpu.vector_load %arg9[%parallel_loop3A_75] {strides = array<i32>} : memref<4800xf32, #tpu.memory_space<vmem>>, vector<16xf32>,
      tpu.vector_store %arg9[%parallel_loop3A_75], %parallel_loop3A_72 {strides = array<i32>} : memref<4800xf32, #tpu.memory_space<vmem>>, vector<16xf32>,
    } {sc.loop_unroll_factor = 1 : i64, sc.parallel_access}
    %parallel_loop3A_10 = arith.constant 0 : i32
    %parallel_loop3A_11 = arith.constant 20 : i32
    %parallel_loop3A_12 = arith.constant 1 : i32
    scf.for %parallel_loop3A_21 = %parallel_loop3A_10 to %parallel_loop3A_11 step %parallel_loop3A_12  : i32 {
      %parallel_loop3A_22 = arith.constant 32 : i32
      %parallel_loop3A_23 = arith.muli %parallel_loop3A_21, %parallel_loop3A_22 : i32
      %parallel_loop3A_24 = arith.constant 16 : i32
      %parallel_loop3A_25 = arith.addi %parallel_loop3A_23, %parallel_loop3A_24 : i32
      %parallel_loop3A_26 = arith.constant 0 : i32
      %parallel_loop3A_27 = arith.index_cast %parallel_loop3A_26 : i32 to index
      %parallel_loop3A_28 = arith.index_cast %parallel_loop3A_23 : i32 to index
      %parallel_loop3A_29 = tpu.vector_load %arg7[%parallel_loop3A_27, %parallel_loop3A_28] {strides = array<i32>} : memref<6x640xf32, #tpu.memory_space<vmem>>, vector<16xf32>,
      %parallel_loop3A_30 = arith.constant 5.120000e+02 : f32
      %parallel_loop3A_31 = vector.broadcast %parallel_loop3A_30 : f32 to vector<16xf32>
      %parallel_loop3A_32 = arith.mulf %parallel_loop3A_29, %parallel_loop3A_31 : vector<16xf32>
      %parallel_loop3A_33 = arith.constant 1 : i32
      %parallel_loop3A_34 = arith.index_cast %parallel_loop3A_33 : i32 to index
      %parallel_loop3A_35 = arith.index_cast %parallel_loop3A_23 : i32 to index
      %parallel_loop3A_36 = tpu.vector_load %arg7[%parallel_loop3A_34, %parallel_loop3A_35] {strides = array<i32>} : memref<6x640xf32, #tpu.memory_space<vmem>>, vector<16xf32>,
      %parallel_loop3A_37 = arith.constant 5.120000e+02 : f32
      %parallel_loop3A_38 = vector.broadcast %parallel_loop3A_37 : f32 to vector<16xf32>
      %parallel_loop3A_39 = arith.mulf %parallel_loop3A_36, %parallel_loop3A_38 : vector<16xf32>
      %parallel_loop3A_40 = arith.constant 2 : i32
      %parallel_loop3A_41 = arith.index_cast %parallel_loop3A_40 : i32 to index
      %parallel_loop3A_42 = arith.index_cast %parallel_loop3A_23 : i32 to index
      %parallel_loop3A_43 = tpu.vector_load %arg7[%parallel_loop3A_41, %parallel_loop3A_42] {strides = array<i32>} : memref<6x640xf32, #tpu.memory_space<vmem>>, vector<16xf32>,
      %parallel_loop3A_44 = arith.constant 5.120000e+02 : f32
      %parallel_loop3A_45 = vector.broadcast %parallel_loop3A_44 : f32 to vector<16xf32>
      %parallel_loop3A_46 = arith.mulf %parallel_loop3A_43, %parallel_loop3A_45 : vector<16xf32>
      %parallel_loop3A_47 = arith.constant 3 : i32
      %parallel_loop3A_48 = arith.index_cast %parallel_loop3A_47 : i32 to index
      %parallel_loop3A_49 = arith.index_cast %parallel_loop3A_23 : i32 to index
      %parallel_loop3A_50 = tpu.vector_load %arg7[%parallel_loop3A_48, %parallel_loop3A_49] {strides = array<i32>} : memref<6x640xf32, #tpu.memory_space<vmem>>, vector<16xf32>,
      %parallel_loop3A_51 = arith.constant 5.120000e+02 : f32
      %parallel_loop3A_52 = vector.broadcast %parallel_loop3A_51 : f32 to vector<16xf32>
      %parallel_loop3A_53 = arith.mulf %parallel_loop3A_50, %parallel_loop3A_52 : vector<16xf32>
      %parallel_loop3A_54 = arith.constant 4 : i32
      %parallel_loop3A_55 = arith.index_cast %parallel_loop3A_54 : i32 to index
      %parallel_loop3A_56 = arith.index_cast %parallel_loop3A_23 : i32 to index
      %parallel_loop3A_57 = tpu.vector_load %arg7[%parallel_loop3A_55, %parallel_loop3A_56] {strides = array<i32>} : memref<6x640xf32, #tpu.memory_space<vmem>>, vector<16xf32>,
      %parallel_loop3A_58 = arith.constant 5 : i32
      %parallel_loop3A_59 = arith.index_cast %parallel_loop3A_58 : i32 to index
      %parallel_loop3A_60 = arith.index_cast %parallel_loop3A_23 : i32 to index
      %parallel_loop3A_61 = tpu.vector_load %arg7[%parallel_loop3A_59, %parallel_loop3A_60] {strides = array<i32>} : memref<6x640xf32, #tpu.memory_space<vmem>>, vector<16xf32>,
      %parallel_loop3A_62 = arith.subf %parallel_loop3A_46, %parallel_loop3A_32 : vector<16xf32>
      %parallel_loop3A_63 = arith.subf %parallel_loop3A_53, %parallel_loop3A_39 : vector<16xf32>
      %parallel_loop3A_64 = arith.mulf %parallel_loop3A_62, %parallel_loop3A_63 : vector<16xf32>
      %parallel_loop3A_65 = arith.constant 0 : i32
      %parallel_loop3A_66 = arith.index_cast %parallel_loop3A_65 : i32 to index
      %parallel_loop3A_67 = arith.index_cast %parallel_loop3A_25 : i32 to index
      %parallel_loop3A_68 = tpu.vector_load %arg7[%parallel_loop3A_66, %parallel_loop3A_67] {strides = array<i32>} : memref<6x640xf32, #tpu.memory_space<vmem>>, vector<16xf32>,
      %parallel_loop3A_69 = arith.constant 5.120000e+02 : f32
      %parallel_loop3A_70 = vector.broadcast %parallel_loop3A_69 : f32 to vector<16xf32>
      %parallel_loop3A_71 = arith.mulf %parallel_loop3A_68, %parallel_loop3A_70 : vector<16xf32>
      %parallel_loop3A_72 = arith.constant 1 : i32
      %parallel_loop3A_73 = arith.index_cast %parallel_loop3A_72 : i32 to index
      %parallel_loop3A_74 = arith.index_cast %parallel_loop3A_25 : i32 to index
      %parallel_loop3A_75 = tpu.vector_load %arg7[%parallel_loop3A_73, %parallel_loop3A_74] {strides = array<i32>} : memref<6x640xf32, #tpu.memory_space<vmem>>, vector<16xf32>,
      %parallel_loop3A_76 = arith.constant 5.120000e+02 : f32
      %parallel_loop3A_77 = vector.broadcast %parallel_loop3A_76 : f32 to vector<16xf32>
      %parallel_loop3A_78 = arith.mulf %parallel_loop3A_75, %parallel_loop3A_77 : vector<16xf32>
      %parallel_loop3A_79 = arith.constant 2 : i32
      %parallel_loop3A_80 = arith.index_cast %parallel_loop3A_79 : i32 to index
      %parallel_loop3A_81 = arith.index_cast %parallel_loop3A_25 : i32 to index
      %parallel_loop3A_82 = tpu.vector_load %arg7[%parallel_loop3A_80, %parallel_loop3A_81] {strides = array<i32>} : memref<6x640xf32, #tpu.memory_space<vmem>>, vector<16xf32>,
      %parallel_loop3A_83 = arith.constant 5.120000e+02 : f32
      %parallel_loop3A_84 = vector.broadcast %parallel_loop3A_83 : f32 to vector<16xf32>
      %parallel_loop3A_85 = arith.mulf %parallel_loop3A_82, %parallel_loop3A_84 : vector<16xf32>
      %parallel_loop3A_86 = arith.constant 3 : i32
      %parallel_loop3A_87 = arith.index_cast %parallel_loop3A_86 : i32 to index
      %parallel_loop3A_88 = arith.index_cast %parallel_loop3A_25 : i32 to index
      %parallel_loop3A_89 = tpu.vector_load %arg7[%parallel_loop3A_87, %parallel_loop3A_88] {strides = array<i32>} : memref<6x640xf32, #tpu.memory_space<vmem>>, vector<16xf32>,
      %parallel_loop3A_90 = arith.constant 5.120000e+02 : f32
      %parallel_loop3A_91 = vector.broadcast %parallel_loop3A_90 : f32 to vector<16xf32>
      %parallel_loop3A_92 = arith.mulf %parallel_loop3A_89, %parallel_loop3A_91 : vector<16xf32>
      %parallel_loop3A_93 = arith.constant 4 : i32
      %parallel_loop3A_94 = arith.index_cast %parallel_loop3A_93 : i32 to index
      %parallel_loop3A_95 = arith.index_cast %parallel_loop3A_25 : i32 to index
      %parallel_loop3A_96 = tpu.vector_load %arg7[%parallel_loop3A_94, %parallel_loop3A_95] {strides = array<i32>} : memref<6x640xf32, #tpu.memory_space<vmem>>, vector<16xf32>,
      %parallel_loop3A_97 = arith.constant 5 : i32
      %parallel_loop3A_98 = arith.index_cast %parallel_loop3A_97 : i32 to index
      %parallel_loop3A_99 = arith.index_cast %parallel_loop3A_25 : i32 to index
      %parallel_loop3A_100 = tpu.vector_load %arg7[%parallel_loop3A_98, %parallel_loop3A_99] {strides = array<i32>} : memref<6x640xf32, #tpu.memory_space<vmem>>, vector<16xf32>,
      %parallel_loop3A_101 = arith.subf %parallel_loop3A_85, %parallel_loop3A_71 : vector<16xf32>
      %parallel_loop3A_102 = arith.subf %parallel_loop3A_92, %parallel_loop3A_78 : vector<16xf32>
      %parallel_loop3A_103 = arith.mulf %parallel_loop3A_101, %parallel_loop3A_102 : vector<16xf32>
      %parallel_loop3A_104 = arith.constant 0 : i32
      %parallel_loop3A_105 = arith.constant 50 : i32
      %parallel_loop3A_106 = arith.addi %parallel_loop3A_104, %parallel_loop3A_105 : i32
      %parallel_loop3A_107 = arith.constant 10 : i32
      %parallel_loop3A_108:4 = scf.for %scan3A = %parallel_loop3A_104 to %parallel_loop3A_106 step %parallel_loop3A_107 iter_args(%scan3A_166 = %broadcast_in_dim3A_5, %scan3A_167 = %broadcast_in_dim3A_7, %scan3A_168 = %broadcast_in_dim3A_5, %scan3A_169 = %broadcast_in_dim3A_7) -> (vector<16xf32>, vector<16xi32>, vector<16xf32>, vector<16xi32>)  : i32 {
        %parallel_loop3A_170 = arith.constant 16 : i32
        %parallel_loop3A_171 = arith.muli %scan3A, %parallel_loop3A_170 : i32
        %parallel_loop3A_172 = arith.index_cast %parallel_loop3A_171 : i32 to index
        %parallel_loop3A_173 = tpu.vector_load %arg9[%parallel_loop3A_172] {strides = array<i32>} : memref<4800xf32, #tpu.memory_space<vmem>>, vector<16xf32>,
        %parallel_loop3A_174 = arith.constant 800 : i32
        %parallel_loop3A_175 = arith.addi %parallel_loop3A_174, %parallel_loop3A_171 : i32
        %parallel_loop3A_176 = arith.index_cast %parallel_loop3A_175 : i32 to index
        %parallel_loop3A_177 = tpu.vector_load %arg9[%parallel_loop3A_176] {strides = array<i32>} : memref<4800xf32, #tpu.memory_space<vmem>>, vector<16xf32>,
        %parallel_loop3A_178 = arith.constant 1600 : i32
        %parallel_loop3A_179 = arith.addi %parallel_loop3A_178, %parallel_loop3A_171 : i32
        %parallel_loop3A_180 = arith.index_cast %parallel_loop3A_179 : i32 to index
        %parallel_loop3A_181 = tpu.vector_load %arg9[%parallel_loop3A_180] {strides = array<i32>} : memref<4800xf32, #tpu.memory_space<vmem>>, vector<16xf32>,
        %parallel_loop3A_182 = arith.constant 2400 : i32
        %parallel_loop3A_183 = arith.addi %parallel_loop3A_182, %parallel_loop3A_171 : i32
        %parallel_loop3A_184 = arith.index_cast %parallel_loop3A_183 : i32 to index
        %parallel_loop3A_185 = tpu.vector_load %arg9[%parallel_loop3A_184] {strides = array<i32>} : memref<4800xf32, #tpu.memory_space<vmem>>, vector<16xf32>,
        %parallel_loop3A_186 = arith.constant 3200 : i32
        %parallel_loop3A_187 = arith.addi %parallel_loop3A_186, %parallel_loop3A_171 : i32
        %parallel_loop3A_188 = arith.index_cast %parallel_loop3A_187 : i32 to index
        %parallel_loop3A_189 = tpu.vector_load %arg9[%parallel_loop3A_188] {strides = array<i32>} : memref<4800xf32, #tpu.memory_space<vmem>>, vector<16xf32>,
        %parallel_loop3A_190 = arith.constant 4000 : i32
        %parallel_loop3A_191 = arith.addi %parallel_loop3A_190, %parallel_loop3A_171 : i32
        %parallel_loop3A_192 = arith.index_cast %parallel_loop3A_191 : i32 to index
        %parallel_loop3A_193 = tpu.vector_load %arg9[%parallel_loop3A_192] {strides = array<i32>} : memref<4800xf32, #tpu.memory_space<vmem>>, vector<16xf32>,
        %parallel_loop3A_194 = arith.minimumf %parallel_loop3A_46, %parallel_loop3A_181 : vector<16xf32>
        %parallel_loop3A_195 = arith.maximumf %parallel_loop3A_32, %parallel_loop3A_173 : vector<16xf32>
        %parallel_loop3A_196 = arith.subf %parallel_loop3A_194, %parallel_loop3A_195 : vector<16xf32>
        %parallel_loop3A_197 = arith.constant 0.000000e+00 : f32
        %parallel_loop3A_198 = vector.broadcast %parallel_loop3A_197 : f32 to vector<16xf32>
        %parallel_loop3A_199 = arith.maximumf %parallel_loop3A_196, %parallel_loop3A_198 : vector<16xf32>
        %parallel_loop3A_200 = arith.minimumf %parallel_loop3A_53, %parallel_loop3A_185 : vector<16xf32>
        %parallel_loop3A_201 = arith.maximumf %parallel_loop3A_39, %parallel_loop3A_177 : vector<16xf32>
        %parallel_loop3A_202 = arith.subf %parallel_loop3A_200, %parallel_loop3A_201 : vector<16xf32>
        %parallel_loop3A_203 = arith.constant 0.000000e+00 : f32
        %parallel_loop3A_204 = vector.broadcast %parallel_loop3A_203 : f32 to vector<16xf32>
        %parallel_loop3A_205 = arith.maximumf %parallel_loop3A_202, %parallel_loop3A_204 : vector<16xf32>
        %parallel_loop3A_206 = arith.mulf %parallel_loop3A_199, %parallel_loop3A_205 : vector<16xf32>
        %parallel_loop3A_207 = arith.addf %parallel_loop3A_64, %parallel_loop3A_193 : vector<16xf32>
        %parallel_loop3A_208 = arith.subf %parallel_loop3A_207, %parallel_loop3A_206 : vector<16xf32>
        %parallel_loop3A_209 = arith.divf %parallel_loop3A_206, %parallel_loop3A_208 : vector<16xf32>
        %parallel_loop3A_210 = arith.cmpf oeq, %parallel_loop3A_61, %parallel_loop3A_189 : vector<16xf32>
        %parallel_loop3A_211 = arith.cmpf ogt, %parallel_loop3A_209, %scan3A_166 : vector<16xf32>
        %parallel_loop3A_212 = arith.andi %parallel_loop3A_210, %parallel_loop3A_211 : vector<16xi1>
        %parallel_loop3A_213 = arith.select %parallel_loop3A_212, %parallel_loop3A_209, %scan3A_166 : vector<16xi1>, vector<16xf32>
        %parallel_loop3A_214 = vector.broadcast %scan3A : i32 to vector<16xi32>
        %parallel_loop3A_215 = arith.select %parallel_loop3A_212, %parallel_loop3A_214, %scan3A_167 : vector<16xi1>, vector<16xi32>
        %parallel_loop3A_216 = arith.minimumf %parallel_loop3A_85, %parallel_loop3A_181 : vector<16xf32>
        %parallel_loop3A_217 = arith.maximumf %parallel_loop3A_71, %parallel_loop3A_173 : vector<16xf32>
        %parallel_loop3A_218 = arith.subf %parallel_loop3A_216, %parallel_loop3A_217 : vector<16xf32>
        %parallel_loop3A_219 = arith.constant 0.000000e+00 : f32
        %parallel_loop3A_220 = vector.broadcast %parallel_loop3A_219 : f32 to vector<16xf32>
        %parallel_loop3A_221 = arith.maximumf %parallel_loop3A_218, %parallel_loop3A_220 : vector<16xf32>
        %parallel_loop3A_222 = arith.minimumf %parallel_loop3A_92, %parallel_loop3A_185 : vector<16xf32>
        %parallel_loop3A_223 = arith.maximumf %parallel_loop3A_78, %parallel_loop3A_177 : vector<16xf32>
        %parallel_loop3A_224 = arith.subf %parallel_loop3A_222, %parallel_loop3A_223 : vector<16xf32>
        %parallel_loop3A_225 = arith.constant 0.000000e+00 : f32
        %parallel_loop3A_226 = vector.broadcast %parallel_loop3A_225 : f32 to vector<16xf32>
        %parallel_loop3A_227 = arith.maximumf %parallel_loop3A_224, %parallel_loop3A_226 : vector<16xf32>
        %parallel_loop3A_228 = arith.mulf %parallel_loop3A_221, %parallel_loop3A_227 : vector<16xf32>
        %parallel_loop3A_229 = arith.addf %parallel_loop3A_103, %parallel_loop3A_193 : vector<16xf32>
        %parallel_loop3A_230 = arith.subf %parallel_loop3A_229, %parallel_loop3A_228 : vector<16xf32>
        %parallel_loop3A_231 = arith.divf %parallel_loop3A_228, %parallel_loop3A_230 : vector<16xf32>
        %parallel_loop3A_232 = arith.cmpf oeq, %parallel_loop3A_100, %parallel_loop3A_189 : vector<16xf32>
        %parallel_loop3A_233 = arith.cmpf ogt, %parallel_loop3A_231, %scan3A_168 : vector<16xf32>
        %parallel_loop3A_234 = arith.andi %parallel_loop3A_232, %parallel_loop3A_233 : vector<16xi1>
        %parallel_loop3A_235 = arith.select %parallel_loop3A_234, %parallel_loop3A_231, %scan3A_168 : vector<16xi1>, vector<16xf32>
        %parallel_loop3A_236 = vector.broadcast %scan3A : i32 to vector<16xi32>
        %parallel_loop3A_237 = arith.select %parallel_loop3A_234, %parallel_loop3A_236, %scan3A_169 : vector<16xi1>, vector<16xi32>
        %parallel_loop3A_238 = arith.constant 1 : i32
        %parallel_loop3A_239 = arith.addi %scan3A, %parallel_loop3A_238 : i32
        %parallel_loop3A_240 = arith.constant 16 : i32
        %parallel_loop3A_241 = arith.muli %parallel_loop3A_239, %parallel_loop3A_240 : i32
        %parallel_loop3A_242 = arith.index_cast %parallel_loop3A_241 : i32 to index
        %parallel_loop3A_243 = tpu.vector_load %arg9[%parallel_loop3A_242] {strides = array<i32>} : memref<4800xf32, #tpu.memory_space<vmem>>, vector<16xf32>,
        %parallel_loop3A_244 = arith.constant 800 : i32
        %parallel_loop3A_245 = arith.addi %parallel_loop3A_244, %parallel_loop3A_241 : i32
        %parallel_loop3A_246 = arith.index_cast %parallel_loop3A_245 : i32 to index
        %parallel_loop3A_247 = tpu.vector_load %arg9[%parallel_loop3A_246] {strides = array<i32>} : memref<4800xf32, #tpu.memory_space<vmem>>, vector<16xf32>,
        %parallel_loop3A_248 = arith.constant 1600 : i32
        %parallel_loop3A_249 = arith.addi %parallel_loop3A_248, %parallel_loop3A_241 : i32
        %parallel_loop3A_250 = arith.index_cast %parallel_loop3A_249 : i32 to index
        %parallel_loop3A_251 = tpu.vector_load %arg9[%parallel_loop3A_250] {strides = array<i32>} : memref<4800xf32, #tpu.memory_space<vmem>>, vector<16xf32>,
        %parallel_loop3A_252 = arith.constant 2400 : i32
        %parallel_loop3A_253 = arith.addi %parallel_loop3A_252, %parallel_loop3A_241 : i32
        %parallel_loop3A_254 = arith.index_cast %parallel_loop3A_253 : i32 to index
        %parallel_loop3A_255 = tpu.vector_load %arg9[%parallel_loop3A_254] {strides = array<i32>} : memref<4800xf32, #tpu.memory_space<vmem>>, vector<16xf32>,
        %parallel_loop3A_256 = arith.constant 3200 : i32
        %parallel_loop3A_257 = arith.addi %parallel_loop3A_256, %parallel_loop3A_241 : i32
        %parallel_loop3A_258 = arith.index_cast %parallel_loop3A_257 : i32 to index
        %parallel_loop3A_259 = tpu.vector_load %arg9[%parallel_loop3A_258] {strides = array<i32>} : memref<4800xf32, #tpu.memory_space<vmem>>, vector<16xf32>,
        %parallel_loop3A_260 = arith.constant 4000 : i32
        %parallel_loop3A_261 = arith.addi %parallel_loop3A_260, %parallel_loop3A_241 : i32
        %parallel_loop3A_262 = arith.index_cast %parallel_loop3A_261 : i32 to index
        %parallel_loop3A_263 = tpu.vector_load %arg9[%parallel_loop3A_262] {strides = array<i32>} : memref<4800xf32, #tpu.memory_space<vmem>>, vector<16xf32>,
        %parallel_loop3A_264 = arith.minimumf %parallel_loop3A_46, %parallel_loop3A_251 : vector<16xf32>
        %parallel_loop3A_265 = arith.maximumf %parallel_loop3A_32, %parallel_loop3A_243 : vector<16xf32>
        %parallel_loop3A_266 = arith.subf %parallel_loop3A_264, %parallel_loop3A_265 : vector<16xf32>
        %parallel_loop3A_267 = arith.constant 0.000000e+00 : f32
        %parallel_loop3A_268 = vector.broadcast %parallel_loop3A_267 : f32 to vector<16xf32>
        %parallel_loop3A_269 = arith.maximumf %parallel_loop3A_266, %parallel_loop3A_268 : vector<16xf32>
        %parallel_loop3A_270 = arith.minimumf %parallel_loop3A_53, %parallel_loop3A_255 : vector<16xf32>
        %parallel_loop3A_271 = arith.maximumf %parallel_loop3A_39, %parallel_loop3A_247 : vector<16xf32>
        %parallel_loop3A_272 = arith.subf %parallel_loop3A_270, %parallel_loop3A_271 : vector<16xf32>
        %parallel_loop3A_273 = arith.constant 0.000000e+00 : f32
        %parallel_loop3A_274 = vector.broadcast %parallel_loop3A_273 : f32 to vector<16xf32>
        %parallel_loop3A_275 = arith.maximumf %parallel_loop3A_272, %parallel_loop3A_274 : vector<16xf32>
        %parallel_loop3A_276 = arith.mulf %parallel_loop3A_269, %parallel_loop3A_275 : vector<16xf32>
        %parallel_loop3A_277 = arith.addf %parallel_loop3A_64, %parallel_loop3A_263 : vector<16xf32>
        %parallel_loop3A_278 = arith.subf %parallel_loop3A_277, %parallel_loop3A_276 : vector<16xf32>
        %parallel_loop3A_279 = arith.divf %parallel_loop3A_276, %parallel_loop3A_278 : vector<16xf32>
        %parallel_loop3A_280 = arith.cmpf oeq, %parallel_loop3A_61, %parallel_loop3A_259 : vector<16xf32>
        %parallel_loop3A_281 = arith.cmpf ogt, %parallel_loop3A_279, %parallel_loop3A_213 : vector<16xf32>
        %parallel_loop3A_282 = arith.andi %parallel_loop3A_280, %parallel_loop3A_281 : vector<16xi1>
        %parallel_loop3A_283 = arith.select %parallel_loop3A_282, %parallel_loop3A_279, %parallel_loop3A_213 : vector<16xi1>, vector<16xf32>
        %parallel_loop3A_284 = vector.broadcast %parallel_loop3A_239 : i32 to vector<16xi32>
        %parallel_loop3A_285 = arith.select %parallel_loop3A_282, %parallel_loop3A_284, %parallel_loop3A_215 : vector<16xi1>, vector<16xi32>
        %parallel_loop3A_286 = arith.minimumf %parallel_loop3A_85, %parallel_loop3A_251 : vector<16xf32>
        %parallel_loop3A_287 = arith.maximumf %parallel_loop3A_71, %parallel_loop3A_243 : vector<16xf32>
        %parallel_loop3A_288 = arith.subf %parallel_loop3A_286, %parallel_loop3A_287 : vector<16xf32>
        %parallel_loop3A_289 = arith.constant 0.000000e+00 : f32
        %parallel_loop3A_290 = vector.broadcast %parallel_loop3A_289 : f32 to vector<16xf32>
        %parallel_loop3A_291 = arith.maximumf %parallel_loop3A_288, %parallel_loop3A_290 : vector<16xf32>
        %parallel_loop3A_292 = arith.minimumf %parallel_loop3A_92, %parallel_loop3A_255 : vector<16xf32>
        %parallel_loop3A_293 = arith.maximumf %parallel_loop3A_78, %parallel_loop3A_247 : vector<16xf32>
        %parallel_loop3A_294 = arith.subf %parallel_loop3A_292, %parallel_loop3A_293 : vector<16xf32>
        %parallel_loop3A_295 = arith.constant 0.000000e+00 : f32
        %parallel_loop3A_296 = vector.broadcast %parallel_loop3A_295 : f32 to vector<16xf32>
        %parallel_loop3A_297 = arith.maximumf %parallel_loop3A_294, %parallel_loop3A_296 : vector<16xf32>
        %parallel_loop3A_298 = arith.mulf %parallel_loop3A_291, %parallel_loop3A_297 : vector<16xf32>
        %parallel_loop3A_299 = arith.addf %parallel_loop3A_103, %parallel_loop3A_263 : vector<16xf32>
        %parallel_loop3A_300 = arith.subf %parallel_loop3A_299, %parallel_loop3A_298 : vector<16xf32>
        %parallel_loop3A_301 = arith.divf %parallel_loop3A_298, %parallel_loop3A_300 : vector<16xf32>
        %parallel_loop3A_302 = arith.cmpf oeq, %parallel_loop3A_100, %parallel_loop3A_259 : vector<16xf32>
        %parallel_loop3A_303 = arith.cmpf ogt, %parallel_loop3A_301, %parallel_loop3A_235 : vector<16xf32>
        %parallel_loop3A_304 = arith.andi %parallel_loop3A_302, %parallel_loop3A_303 : vector<16xi1>
        %parallel_loop3A_305 = arith.select %parallel_loop3A_304, %parallel_loop3A_301, %parallel_loop3A_235 : vector<16xi1>, vector<16xf32>
        %parallel_loop3A_306 = vector.broadcast %parallel_loop3A_239 : i32 to vector<16xi32>
        %parallel_loop3A_307 = arith.select %parallel_loop3A_304, %parallel_loop3A_306, %parallel_loop3A_237 : vector<16xi1>, vector<16xi32>
        %parallel_loop3A_308 = arith.constant 2 : i32
        %parallel_loop3A_309 = arith.addi %scan3A, %parallel_loop3A_308 : i32
        %parallel_loop3A_310 = arith.constant 16 : i32
        %parallel_loop3A_311 = arith.muli %parallel_loop3A_309, %parallel_loop3A_310 : i32
        %parallel_loop3A_312 = arith.index_cast %parallel_loop3A_311 : i32 to index
        %parallel_loop3A_313 = tpu.vector_load %arg9[%parallel_loop3A_312] {strides = array<i32>} : memref<4800xf32, #tpu.memory_space<vmem>>, vector<16xf32>,
        %parallel_loop3A_314 = arith.constant 800 : i32
        %parallel_loop3A_315 = arith.addi %parallel_loop3A_314, %parallel_loop3A_311 : i32
        %parallel_loop3A_316 = arith.index_cast %parallel_loop3A_315 : i32 to index
        %parallel_loop3A_317 = tpu.vector_load %arg9[%parallel_loop3A_316] {strides = array<i32>} : memref<4800xf32, #tpu.memory_space<vmem>>, vector<16xf32>,
        %parallel_loop3A_318 = arith.constant 1600 : i32
        %parallel_loop3A_319 = arith.addi %parallel_loop3A_318, %parallel_loop3A_311 : i32
        %parallel_loop3A_320 = arith.index_cast %parallel_loop3A_319 : i32 to index
        %parallel_loop3A_321 = tpu.vector_load %arg9[%parallel_loop3A_320] {strides = array<i32>} : memref<4800xf32, #tpu.memory_space<vmem>>, vector<16xf32>,
        %parallel_loop3A_322 = arith.constant 2400 : i32
        %parallel_loop3A_323 = arith.addi %parallel_loop3A_322, %parallel_loop3A_311 : i32
        %parallel_loop3A_324 = arith.index_cast %parallel_loop3A_323 : i32 to index
        %parallel_loop3A_325 = tpu.vector_load %arg9[%parallel_loop3A_324] {strides = array<i32>} : memref<4800xf32, #tpu.memory_space<vmem>>, vector<16xf32>,
        %parallel_loop3A_326 = arith.constant 3200 : i32
        %parallel_loop3A_327 = arith.addi %parallel_loop3A_326, %parallel_loop3A_311 : i32
        %parallel_loop3A_328 = arith.index_cast %parallel_loop3A_327 : i32 to index
        %parallel_loop3A_329 = tpu.vector_load %arg9[%parallel_loop3A_328] {strides = array<i32>} : memref<4800xf32, #tpu.memory_space<vmem>>, vector<16xf32>,
        %parallel_loop3A_330 = arith.constant 4000 : i32
        %parallel_loop3A_331 = arith.addi %parallel_loop3A_330, %parallel_loop3A_311 : i32
        %parallel_loop3A_332 = arith.index_cast %parallel_loop3A_331 : i32 to index
        %parallel_loop3A_333 = tpu.vector_load %arg9[%parallel_loop3A_332] {strides = array<i32>} : memref<4800xf32, #tpu.memory_space<vmem>>, vector<16xf32>,
        %parallel_loop3A_334 = arith.minimumf %parallel_loop3A_46, %parallel_loop3A_321 : vector<16xf32>
        %parallel_loop3A_335 = arith.maximumf %parallel_loop3A_32, %parallel_loop3A_313 : vector<16xf32>
        %parallel_loop3A_336 = arith.subf %parallel_loop3A_334, %parallel_loop3A_335 : vector<16xf32>
        %parallel_loop3A_337 = arith.constant 0.000000e+00 : f32
        %parallel_loop3A_338 = vector.broadcast %parallel_loop3A_337 : f32 to vector<16xf32>
        %parallel_loop3A_339 = arith.maximumf %parallel_loop3A_336, %parallel_loop3A_338 : vector<16xf32>
        %parallel_loop3A_340 = arith.minimumf %parallel_loop3A_53, %parallel_loop3A_325 : vector<16xf32>
        %parallel_loop3A_341 = arith.maximumf %parallel_loop3A_39, %parallel_loop3A_317 : vector<16xf32>
        %parallel_loop3A_342 = arith.subf %parallel_loop3A_340, %parallel_loop3A_341 : vector<16xf32>
        %parallel_loop3A_343 = arith.constant 0.000000e+00 : f32
        %parallel_loop3A_344 = vector.broadcast %parallel_loop3A_343 : f32 to vector<16xf32>
        %parallel_loop3A_345 = arith.maximumf %parallel_loop3A_342, %parallel_loop3A_344 : vector<16xf32>
        %parallel_loop3A_346 = arith.mulf %parallel_loop3A_339, %parallel_loop3A_345 : vector<16xf32>
        %parallel_loop3A_347 = arith.addf %parallel_loop3A_64, %parallel_loop3A_333 : vector<16xf32>
        %parallel_loop3A_348 = arith.subf %parallel_loop3A_347, %parallel_loop3A_346 : vector<16xf32>
        %parallel_loop3A_349 = arith.divf %parallel_loop3A_346, %parallel_loop3A_348 : vector<16xf32>
        %parallel_loop3A_350 = arith.cmpf oeq, %parallel_loop3A_61, %parallel_loop3A_329 : vector<16xf32>
        %parallel_loop3A_351 = arith.cmpf ogt, %parallel_loop3A_349, %parallel_loop3A_283 : vector<16xf32>
        %parallel_loop3A_352 = arith.andi %parallel_loop3A_350, %parallel_loop3A_351 : vector<16xi1>
        %parallel_loop3A_353 = arith.select %parallel_loop3A_352, %parallel_loop3A_349, %parallel_loop3A_283 : vector<16xi1>, vector<16xf32>
        %parallel_loop3A_354 = vector.broadcast %parallel_loop3A_309 : i32 to vector<16xi32>
        %parallel_loop3A_355 = arith.select %parallel_loop3A_352, %parallel_loop3A_354, %parallel_loop3A_285 : vector<16xi1>, vector<16xi32>
        %parallel_loop3A_356 = arith.minimumf %parallel_loop3A_85, %parallel_loop3A_321 : vector<16xf32>
        %parallel_loop3A_357 = arith.maximumf %parallel_loop3A_71, %parallel_loop3A_313 : vector<16xf32>
        %parallel_loop3A_358 = arith.subf %parallel_loop3A_356, %parallel_loop3A_357 : vector<16xf32>
        %parallel_loop3A_359 = arith.constant 0.000000e+00 : f32
        %parallel_loop3A_360 = vector.broadcast %parallel_loop3A_359 : f32 to vector<16xf32>
        %parallel_loop3A_361 = arith.maximumf %parallel_loop3A_358, %parallel_loop3A_360 : vector<16xf32>
        %parallel_loop3A_362 = arith.minimumf %parallel_loop3A_92, %parallel_loop3A_325 : vector<16xf32>
        %parallel_loop3A_363 = arith.maximumf %parallel_loop3A_78, %parallel_loop3A_317 : vector<16xf32>
        %parallel_loop3A_364 = arith.subf %parallel_loop3A_362, %parallel_loop3A_363 : vector<16xf32>
        %parallel_loop3A_365 = arith.constant 0.000000e+00 : f32
        %parallel_loop3A_366 = vector.broadcast %parallel_loop3A_365 : f32 to vector<16xf32>
        %parallel_loop3A_367 = arith.maximumf %parallel_loop3A_364, %parallel_loop3A_366 : vector<16xf32>
        %parallel_loop3A_368 = arith.mulf %parallel_loop3A_361, %parallel_loop3A_367 : vector<16xf32>
        %parallel_loop3A_369 = arith.addf %parallel_loop3A_103, %parallel_loop3A_333 : vector<16xf32>
        %parallel_loop3A_370 = arith.subf %parallel_loop3A_369, %parallel_loop3A_368 : vector<16xf32>
        %parallel_loop3A_371 = arith.divf %parallel_loop3A_368, %parallel_loop3A_370 : vector<16xf32>
        %parallel_loop3A_372 = arith.cmpf oeq, %parallel_loop3A_100, %parallel_loop3A_329 : vector<16xf32>
        %parallel_loop3A_373 = arith.cmpf ogt, %parallel_loop3A_371, %parallel_loop3A_305 : vector<16xf32>
        %parallel_loop3A_374 = arith.andi %parallel_loop3A_372, %parallel_loop3A_373 : vector<16xi1>
        %parallel_loop3A_375 = arith.select %parallel_loop3A_374, %parallel_loop3A_371, %parallel_loop3A_305 : vector<16xi1>, vector<16xf32>
        %parallel_loop3A_376 = vector.broadcast %parallel_loop3A_309 : i32 to vector<16xi32>
        %parallel_loop3A_377 = arith.select %parallel_loop3A_374, %parallel_loop3A_376, %parallel_loop3A_307 : vector<16xi1>, vector<16xi32>
        %parallel_loop3A_378 = arith.constant 3 : i32
        %parallel_loop3A_379 = arith.addi %scan3A, %parallel_loop3A_378 : i32
        %parallel_loop3A_380 = arith.constant 16 : i32
        %parallel_loop3A_381 = arith.muli %parallel_loop3A_379, %parallel_loop3A_380 : i32
        %parallel_loop3A_382 = arith.index_cast %parallel_loop3A_381 : i32 to index
        %parallel_loop3A_383 = tpu.vector_load %arg9[%parallel_loop3A_382] {strides = array<i32>} : memref<4800xf32, #tpu.memory_space<vmem>>, vector<16xf32>,
        %parallel_loop3A_384 = arith.constant 800 : i32
        %parallel_loop3A_385 = arith.addi %parallel_loop3A_384, %parallel_loop3A_381 : i32
        %parallel_loop3A_386 = arith.index_cast %parallel_loop3A_385 : i32 to index
        %parallel_loop3A_387 = tpu.vector_load %arg9[%parallel_loop3A_386] {strides = array<i32>} : memref<4800xf32, #tpu.memory_space<vmem>>, vector<16xf32>,
        %parallel_loop3A_388 = arith.constant 1600 : i32
        %parallel_loop3A_389 = arith.addi %parallel_loop3A_388, %parallel_loop3A_381 : i32
        %parallel_loop3A_390 = arith.index_cast %parallel_loop3A_389 : i32 to index
        %parallel_loop3A_391 = tpu.vector_load %arg9[%parallel_loop3A_390] {strides = array<i32>} : memref<4800xf32, #tpu.memory_space<vmem>>, vector<16xf32>,
        %parallel_loop3A_392 = arith.constant 2400 : i32
        %parallel_loop3A_393 = arith.addi %parallel_loop3A_392, %parallel_loop3A_381 : i32
        %parallel_loop3A_394 = arith.index_cast %parallel_loop3A_393 : i32 to index
        %parallel_loop3A_395 = tpu.vector_load %arg9[%parallel_loop3A_394] {strides = array<i32>} : memref<4800xf32, #tpu.memory_space<vmem>>, vector<16xf32>,
        %parallel_loop3A_396 = arith.constant 3200 : i32
        %parallel_loop3A_397 = arith.addi %parallel_loop3A_396, %parallel_loop3A_381 : i32
        %parallel_loop3A_398 = arith.index_cast %parallel_loop3A_397 : i32 to index
        %parallel_loop3A_399 = tpu.vector_load %arg9[%parallel_loop3A_398] {strides = array<i32>} : memref<4800xf32, #tpu.memory_space<vmem>>, vector<16xf32>,
        %parallel_loop3A_400 = arith.constant 4000 : i32
        %parallel_loop3A_401 = arith.addi %parallel_loop3A_400, %parallel_loop3A_381 : i32
        %parallel_loop3A_402 = arith.index_cast %parallel_loop3A_401 : i32 to index
        %parallel_loop3A_403 = tpu.vector_load %arg9[%parallel_loop3A_402] {strides = array<i32>} : memref<4800xf32, #tpu.memory_space<vmem>>, vector<16xf32>,
        %parallel_loop3A_404 = arith.minimumf %parallel_loop3A_46, %parallel_loop3A_391 : vector<16xf32>
        %parallel_loop3A_405 = arith.maximumf %parallel_loop3A_32, %parallel_loop3A_383 : vector<16xf32>
        %parallel_loop3A_406 = arith.subf %parallel_loop3A_404, %parallel_loop3A_405 : vector<16xf32>
        %parallel_loop3A_407 = arith.constant 0.000000e+00 : f32
        %parallel_loop3A_408 = vector.broadcast %parallel_loop3A_407 : f32 to vector<16xf32>
        %parallel_loop3A_409 = arith.maximumf %parallel_loop3A_406, %parallel_loop3A_408 : vector<16xf32>
        %parallel_loop3A_410 = arith.minimumf %parallel_loop3A_53, %parallel_loop3A_395 : vector<16xf32>
        %parallel_loop3A_411 = arith.maximumf %parallel_loop3A_39, %parallel_loop3A_387 : vector<16xf32>
        %parallel_loop3A_412 = arith.subf %parallel_loop3A_410, %parallel_loop3A_411 : vector<16xf32>
        %parallel_loop3A_413 = arith.constant 0.000000e+00 : f32
        %parallel_loop3A_414 = vector.broadcast %parallel_loop3A_413 : f32 to vector<16xf32>
        %parallel_loop3A_415 = arith.maximumf %parallel_loop3A_412, %parallel_loop3A_414 : vector<16xf32>
        %parallel_loop3A_416 = arith.mulf %parallel_loop3A_409, %parallel_loop3A_415 : vector<16xf32>
        %parallel_loop3A_417 = arith.addf %parallel_loop3A_64, %parallel_loop3A_403 : vector<16xf32>
        %parallel_loop3A_418 = arith.subf %parallel_loop3A_417, %parallel_loop3A_416 : vector<16xf32>
        %parallel_loop3A_419 = arith.divf %parallel_loop3A_416, %parallel_loop3A_418 : vector<16xf32>
        %parallel_loop3A_420 = arith.cmpf oeq, %parallel_loop3A_61, %parallel_loop3A_399 : vector<16xf32>
        %parallel_loop3A_421 = arith.cmpf ogt, %parallel_loop3A_419, %parallel_loop3A_353 : vector<16xf32>
        %parallel_loop3A_422 = arith.andi %parallel_loop3A_420, %parallel_loop3A_421 : vector<16xi1>
        %parallel_loop3A_423 = arith.select %parallel_loop3A_422, %parallel_loop3A_419, %parallel_loop3A_353 : vector<16xi1>, vector<16xf32>
        %parallel_loop3A_424 = vector.broadcast %parallel_loop3A_379 : i32 to vector<16xi32>
        %parallel_loop3A_425 = arith.select %parallel_loop3A_422, %parallel_loop3A_424, %parallel_loop3A_355 : vector<16xi1>, vector<16xi32>
        %parallel_loop3A_426 = arith.minimumf %parallel_loop3A_85, %parallel_loop3A_391 : vector<16xf32>
        %parallel_loop3A_427 = arith.maximumf %parallel_loop3A_71, %parallel_loop3A_383 : vector<16xf32>
        %parallel_loop3A_428 = arith.subf %parallel_loop3A_426, %parallel_loop3A_427 : vector<16xf32>
        %parallel_loop3A_429 = arith.constant 0.000000e+00 : f32
        %parallel_loop3A_430 = vector.broadcast %parallel_loop3A_429 : f32 to vector<16xf32>
        %parallel_loop3A_431 = arith.maximumf %parallel_loop3A_428, %parallel_loop3A_430 : vector<16xf32>
        %parallel_loop3A_432 = arith.minimumf %parallel_loop3A_92, %parallel_loop3A_395 : vector<16xf32>
        %parallel_loop3A_433 = arith.maximumf %parallel_loop3A_78, %parallel_loop3A_387 : vector<16xf32>
        %parallel_loop3A_434 = arith.subf %parallel_loop3A_432, %parallel_loop3A_433 : vector<16xf32>
        %parallel_loop3A_435 = arith.constant 0.000000e+00 : f32
        %parallel_loop3A_436 = vector.broadcast %parallel_loop3A_435 : f32 to vector<16xf32>
        %parallel_loop3A_437 = arith.maximumf %parallel_loop3A_434, %parallel_loop3A_436 : vector<16xf32>
        %parallel_loop3A_438 = arith.mulf %parallel_loop3A_431, %parallel_loop3A_437 : vector<16xf32>
        %parallel_loop3A_439 = arith.addf %parallel_loop3A_103, %parallel_loop3A_403 : vector<16xf32>
        %parallel_loop3A_440 = arith.subf %parallel_loop3A_439, %parallel_loop3A_438 : vector<16xf32>
        %parallel_loop3A_441 = arith.divf %parallel_loop3A_438, %parallel_loop3A_440 : vector<16xf32>
        %parallel_loop3A_442 = arith.cmpf oeq, %parallel_loop3A_100, %parallel_loop3A_399 : vector<16xf32>
        %parallel_loop3A_443 = arith.cmpf ogt, %parallel_loop3A_441, %parallel_loop3A_375 : vector<16xf32>
        %parallel_loop3A_444 = arith.andi %parallel_loop3A_442, %parallel_loop3A_443 : vector<16xi1>
        %parallel_loop3A_445 = arith.select %parallel_loop3A_444, %parallel_loop3A_441, %parallel_loop3A_375 : vector<16xi1>, vector<16xf32>
        %parallel_loop3A_446 = vector.broadcast %parallel_loop3A_379 : i32 to vector<16xi32>
        %parallel_loop3A_447 = arith.select %parallel_loop3A_444, %parallel_loop3A_446, %parallel_loop3A_377 : vector<16xi1>, vector<16xi32>
        %parallel_loop3A_448 = arith.constant 4 : i32
        %parallel_loop3A_449 = arith.addi %scan3A, %parallel_loop3A_448 : i32
        %parallel_loop3A_450 = arith.constant 16 : i32
        %parallel_loop3A_451 = arith.muli %parallel_loop3A_449, %parallel_loop3A_450 : i32
        %parallel_loop3A_452 = arith.index_cast %parallel_loop3A_451 : i32 to index
        %parallel_loop3A_453 = tpu.vector_load %arg9[%parallel_loop3A_452] {strides = array<i32>} : memref<4800xf32, #tpu.memory_space<vmem>>, vector<16xf32>,
        %parallel_loop3A_454 = arith.constant 800 : i32
        %parallel_loop3A_455 = arith.addi %parallel_loop3A_454, %parallel_loop3A_451 : i32
        %parallel_loop3A_456 = arith.index_cast %parallel_loop3A_455 : i32 to index
        %parallel_loop3A_457 = tpu.vector_load %arg9[%parallel_loop3A_456] {strides = array<i32>} : memref<4800xf32, #tpu.memory_space<vmem>>, vector<16xf32>,
        %parallel_loop3A_458 = arith.constant 1600 : i32
        %parallel_loop3A_459 = arith.addi %parallel_loop3A_458, %parallel_loop3A_451 : i32
        %parallel_loop3A_460 = arith.index_cast %parallel_loop3A_459 : i32 to index
        %parallel_loop3A_461 = tpu.vector_load %arg9[%parallel_loop3A_460] {strides = array<i32>} : memref<4800xf32, #tpu.memory_space<vmem>>, vector<16xf32>,
        %parallel_loop3A_462 = arith.constant 2400 : i32
        %parallel_loop3A_463 = arith.addi %parallel_loop3A_462, %parallel_loop3A_451 : i32
        %parallel_loop3A_464 = arith.index_cast %parallel_loop3A_463 : i32 to index
        %parallel_loop3A_465 = tpu.vector_load %arg9[%parallel_loop3A_464] {strides = array<i32>} : memref<4800xf32, #tpu.memory_space<vmem>>, vector<16xf32>,
        %parallel_loop3A_466 = arith.constant 3200 : i32
        %parallel_loop3A_467 = arith.addi %parallel_loop3A_466, %parallel_loop3A_451 : i32
        %parallel_loop3A_468 = arith.index_cast %parallel_loop3A_467 : i32 to index
        %parallel_loop3A_469 = tpu.vector_load %arg9[%parallel_loop3A_468] {strides = array<i32>} : memref<4800xf32, #tpu.memory_space<vmem>>, vector<16xf32>,
        %parallel_loop3A_470 = arith.constant 4000 : i32
        %parallel_loop3A_471 = arith.addi %parallel_loop3A_470, %parallel_loop3A_451 : i32
        %parallel_loop3A_472 = arith.index_cast %parallel_loop3A_471 : i32 to index
        %parallel_loop3A_473 = tpu.vector_load %arg9[%parallel_loop3A_472] {strides = array<i32>} : memref<4800xf32, #tpu.memory_space<vmem>>, vector<16xf32>,
        %parallel_loop3A_474 = arith.minimumf %parallel_loop3A_46, %parallel_loop3A_461 : vector<16xf32>
        %parallel_loop3A_475 = arith.maximumf %parallel_loop3A_32, %parallel_loop3A_453 : vector<16xf32>
        %parallel_loop3A_476 = arith.subf %parallel_loop3A_474, %parallel_loop3A_475 : vector<16xf32>
        %parallel_loop3A_477 = arith.constant 0.000000e+00 : f32
        %parallel_loop3A_478 = vector.broadcast %parallel_loop3A_477 : f32 to vector<16xf32>
        %parallel_loop3A_479 = arith.maximumf %parallel_loop3A_476, %parallel_loop3A_478 : vector<16xf32>
        %parallel_loop3A_480 = arith.minimumf %parallel_loop3A_53, %parallel_loop3A_465 : vector<16xf32>
        %parallel_loop3A_481 = arith.maximumf %parallel_loop3A_39, %parallel_loop3A_457 : vector<16xf32>
        %parallel_loop3A_482 = arith.subf %parallel_loop3A_480, %parallel_loop3A_481 : vector<16xf32>
        %parallel_loop3A_483 = arith.constant 0.000000e+00 : f32
        %parallel_loop3A_484 = vector.broadcast %parallel_loop3A_483 : f32 to vector<16xf32>
        %parallel_loop3A_485 = arith.maximumf %parallel_loop3A_482, %parallel_loop3A_484 : vector<16xf32>
        %parallel_loop3A_486 = arith.mulf %parallel_loop3A_479, %parallel_loop3A_485 : vector<16xf32>
        %parallel_loop3A_487 = arith.addf %parallel_loop3A_64, %parallel_loop3A_473 : vector<16xf32>
        %parallel_loop3A_488 = arith.subf %parallel_loop3A_487, %parallel_loop3A_486 : vector<16xf32>
        %parallel_loop3A_489 = arith.divf %parallel_loop3A_486, %parallel_loop3A_488 : vector<16xf32>
        %parallel_loop3A_490 = arith.cmpf oeq, %parallel_loop3A_61, %parallel_loop3A_469 : vector<16xf32>
        %parallel_loop3A_491 = arith.cmpf ogt, %parallel_loop3A_489, %parallel_loop3A_423 : vector<16xf32>
        %parallel_loop3A_492 = arith.andi %parallel_loop3A_490, %parallel_loop3A_491 : vector<16xi1>
        %parallel_loop3A_493 = arith.select %parallel_loop3A_492, %parallel_loop3A_489, %parallel_loop3A_423 : vector<16xi1>, vector<16xf32>
        %parallel_loop3A_494 = vector.broadcast %parallel_loop3A_449 : i32 to vector<16xi32>
        %parallel_loop3A_495 = arith.select %parallel_loop3A_492, %parallel_loop3A_494, %parallel_loop3A_425 : vector<16xi1>, vector<16xi32>
        %parallel_loop3A_496 = arith.minimumf %parallel_loop3A_85, %parallel_loop3A_461 : vector<16xf32>
        %parallel_loop3A_497 = arith.maximumf %parallel_loop3A_71, %parallel_loop3A_453 : vector<16xf32>
        %parallel_loop3A_498 = arith.subf %parallel_loop3A_496, %parallel_loop3A_497 : vector<16xf32>
        %parallel_loop3A_499 = arith.constant 0.000000e+00 : f32
        %parallel_loop3A_500 = vector.broadcast %parallel_loop3A_499 : f32 to vector<16xf32>
        %parallel_loop3A_501 = arith.maximumf %parallel_loop3A_498, %parallel_loop3A_500 : vector<16xf32>
        %parallel_loop3A_502 = arith.minimumf %parallel_loop3A_92, %parallel_loop3A_465 : vector<16xf32>
        %parallel_loop3A_503 = arith.maximumf %parallel_loop3A_78, %parallel_loop3A_457 : vector<16xf32>
        %parallel_loop3A_504 = arith.subf %parallel_loop3A_502, %parallel_loop3A_503 : vector<16xf32>
        %parallel_loop3A_505 = arith.constant 0.000000e+00 : f32
        %parallel_loop3A_506 = vector.broadcast %parallel_loop3A_505 : f32 to vector<16xf32>
        %parallel_loop3A_507 = arith.maximumf %parallel_loop3A_504, %parallel_loop3A_506 : vector<16xf32>
        %parallel_loop3A_508 = arith.mulf %parallel_loop3A_501, %parallel_loop3A_507 : vector<16xf32>
        %parallel_loop3A_509 = arith.addf %parallel_loop3A_103, %parallel_loop3A_473 : vector<16xf32>
        %parallel_loop3A_510 = arith.subf %parallel_loop3A_509, %parallel_loop3A_508 : vector<16xf32>
        %parallel_loop3A_511 = arith.divf %parallel_loop3A_508, %parallel_loop3A_510 : vector<16xf32>
        %parallel_loop3A_512 = arith.cmpf oeq, %parallel_loop3A_100, %parallel_loop3A_469 : vector<16xf32>
        %parallel_loop3A_513 = arith.cmpf ogt, %parallel_loop3A_511, %parallel_loop3A_445 : vector<16xf32>
        %parallel_loop3A_514 = arith.andi %parallel_loop3A_512, %parallel_loop3A_513 : vector<16xi1>
        %parallel_loop3A_515 = arith.select %parallel_loop3A_514, %parallel_loop3A_511, %parallel_loop3A_445 : vector<16xi1>, vector<16xf32>
        %parallel_loop3A_516 = vector.broadcast %parallel_loop3A_449 : i32 to vector<16xi32>
        %parallel_loop3A_517 = arith.select %parallel_loop3A_514, %parallel_loop3A_516, %parallel_loop3A_447 : vector<16xi1>, vector<16xi32>
        %parallel_loop3A_518 = arith.constant 5 : i32
        %parallel_loop3A_519 = arith.addi %scan3A, %parallel_loop3A_518 : i32
        %parallel_loop3A_520 = arith.constant 16 : i32
        %parallel_loop3A_521 = arith.muli %parallel_loop3A_519, %parallel_loop3A_520 : i32
        %parallel_loop3A_522 = arith.index_cast %parallel_loop3A_521 : i32 to index
        %parallel_loop3A_523 = tpu.vector_load %arg9[%parallel_loop3A_522] {strides = array<i32>} : memref<4800xf32, #tpu.memory_space<vmem>>, vector<16xf32>,
        %parallel_loop3A_524 = arith.constant 800 : i32
        %parallel_loop3A_525 = arith.addi %parallel_loop3A_524, %parallel_loop3A_521 : i32
        %parallel_loop3A_526 = arith.index_cast %parallel_loop3A_525 : i32 to index
        %parallel_loop3A_527 = tpu.vector_load %arg9[%parallel_loop3A_526] {strides = array<i32>} : memref<4800xf32, #tpu.memory_space<vmem>>, vector<16xf32>,
        %parallel_loop3A_528 = arith.constant 1600 : i32
        %parallel_loop3A_529 = arith.addi %parallel_loop3A_528, %parallel_loop3A_521 : i32
        %parallel_loop3A_530 = arith.index_cast %parallel_loop3A_529 : i32 to index
        %parallel_loop3A_531 = tpu.vector_load %arg9[%parallel_loop3A_530] {strides = array<i32>} : memref<4800xf32, #tpu.memory_space<vmem>>, vector<16xf32>,
        %parallel_loop3A_532 = arith.constant 2400 : i32
        %parallel_loop3A_533 = arith.addi %parallel_loop3A_532, %parallel_loop3A_521 : i32
        %parallel_loop3A_534 = arith.index_cast %parallel_loop3A_533 : i32 to index
        %parallel_loop3A_535 = tpu.vector_load %arg9[%parallel_loop3A_534] {strides = array<i32>} : memref<4800xf32, #tpu.memory_space<vmem>>, vector<16xf32>,
        %parallel_loop3A_536 = arith.constant 3200 : i32
        %parallel_loop3A_537 = arith.addi %parallel_loop3A_536, %parallel_loop3A_521 : i32
        %parallel_loop3A_538 = arith.index_cast %parallel_loop3A_537 : i32 to index
        %parallel_loop3A_539 = tpu.vector_load %arg9[%parallel_loop3A_538] {strides = array<i32>} : memref<4800xf32, #tpu.memory_space<vmem>>, vector<16xf32>,
        %parallel_loop3A_540 = arith.constant 4000 : i32
        %parallel_loop3A_541 = arith.addi %parallel_loop3A_540, %parallel_loop3A_521 : i32
        %parallel_loop3A_542 = arith.index_cast %parallel_loop3A_541 : i32 to index
        %parallel_loop3A_543 = tpu.vector_load %arg9[%parallel_loop3A_542] {strides = array<i32>} : memref<4800xf32, #tpu.memory_space<vmem>>, vector<16xf32>,
        %parallel_loop3A_544 = arith.minimumf %parallel_loop3A_46, %parallel_loop3A_531 : vector<16xf32>
        %parallel_loop3A_545 = arith.maximumf %parallel_loop3A_32, %parallel_loop3A_523 : vector<16xf32>
        %parallel_loop3A_546 = arith.subf %parallel_loop3A_544, %parallel_loop3A_545 : vector<16xf32>
        %parallel_loop3A_547 = arith.constant 0.000000e+00 : f32
        %parallel_loop3A_548 = vector.broadcast %parallel_loop3A_547 : f32 to vector<16xf32>
        %parallel_loop3A_549 = arith.maximumf %parallel_loop3A_546, %parallel_loop3A_548 : vector<16xf32>
        %parallel_loop3A_550 = arith.minimumf %parallel_loop3A_53, %parallel_loop3A_535 : vector<16xf32>
        %parallel_loop3A_551 = arith.maximumf %parallel_loop3A_39, %parallel_loop3A_527 : vector<16xf32>
        %parallel_loop3A_552 = arith.subf %parallel_loop3A_550, %parallel_loop3A_551 : vector<16xf32>
        %parallel_loop3A_553 = arith.constant 0.000000e+00 : f32
        %parallel_loop3A_554 = vector.broadcast %parallel_loop3A_553 : f32 to vector<16xf32>
        %parallel_loop3A_555 = arith.maximumf %parallel_loop3A_552, %parallel_loop3A_554 : vector<16xf32>
        %parallel_loop3A_556 = arith.mulf %parallel_loop3A_549, %parallel_loop3A_555 : vector<16xf32>
        %parallel_loop3A_557 = arith.addf %parallel_loop3A_64, %parallel_loop3A_543 : vector<16xf32>
        %parallel_loop3A_558 = arith.subf %parallel_loop3A_557, %parallel_loop3A_556 : vector<16xf32>
        %parallel_loop3A_559 = arith.divf %parallel_loop3A_556, %parallel_loop3A_558 : vector<16xf32>
        %parallel_loop3A_560 = arith.cmpf oeq, %parallel_loop3A_61, %parallel_loop3A_539 : vector<16xf32>
        %parallel_loop3A_561 = arith.cmpf ogt, %parallel_loop3A_559, %parallel_loop3A_493 : vector<16xf32>
        %parallel_loop3A_562 = arith.andi %parallel_loop3A_560, %parallel_loop3A_561 : vector<16xi1>
        %parallel_loop3A_563 = arith.select %parallel_loop3A_562, %parallel_loop3A_559, %parallel_loop3A_493 : vector<16xi1>, vector<16xf32>
        %parallel_loop3A_564 = vector.broadcast %parallel_loop3A_519 : i32 to vector<16xi32>
        %parallel_loop3A_565 = arith.select %parallel_loop3A_562, %parallel_loop3A_564, %parallel_loop3A_495 : vector<16xi1>, vector<16xi32>
        %parallel_loop3A_566 = arith.minimumf %parallel_loop3A_85, %parallel_loop3A_531 : vector<16xf32>
        %parallel_loop3A_567 = arith.maximumf %parallel_loop3A_71, %parallel_loop3A_523 : vector<16xf32>
        %parallel_loop3A_568 = arith.subf %parallel_loop3A_566, %parallel_loop3A_567 : vector<16xf32>
        %parallel_loop3A_569 = arith.constant 0.000000e+00 : f32
        %parallel_loop3A_570 = vector.broadcast %parallel_loop3A_569 : f32 to vector<16xf32>
        %parallel_loop3A_571 = arith.maximumf %parallel_loop3A_568, %parallel_loop3A_570 : vector<16xf32>
        %parallel_loop3A_572 = arith.minimumf %parallel_loop3A_92, %parallel_loop3A_535 : vector<16xf32>
        %parallel_loop3A_573 = arith.maximumf %parallel_loop3A_78, %parallel_loop3A_527 : vector<16xf32>
        %parallel_loop3A_574 = arith.subf %parallel_loop3A_572, %parallel_loop3A_573 : vector<16xf32>
        %parallel_loop3A_575 = arith.constant 0.000000e+00 : f32
        %parallel_loop3A_576 = vector.broadcast %parallel_loop3A_575 : f32 to vector<16xf32>
        %parallel_loop3A_577 = arith.maximumf %parallel_loop3A_574, %parallel_loop3A_576 : vector<16xf32>
        %parallel_loop3A_578 = arith.mulf %parallel_loop3A_571, %parallel_loop3A_577 : vector<16xf32>
        %parallel_loop3A_579 = arith.addf %parallel_loop3A_103, %parallel_loop3A_543 : vector<16xf32>
        %parallel_loop3A_580 = arith.subf %parallel_loop3A_579, %parallel_loop3A_578 : vector<16xf32>
        %parallel_loop3A_581 = arith.divf %parallel_loop3A_578, %parallel_loop3A_580 : vector<16xf32>
        %parallel_loop3A_582 = arith.cmpf oeq, %parallel_loop3A_100, %parallel_loop3A_539 : vector<16xf32>
        %parallel_loop3A_583 = arith.cmpf ogt, %parallel_loop3A_581, %parallel_loop3A_515 : vector<16xf32>
        %parallel_loop3A_584 = arith.andi %parallel_loop3A_582, %parallel_loop3A_583 : vector<16xi1>
        %parallel_loop3A_585 = arith.select %parallel_loop3A_584, %parallel_loop3A_581, %parallel_loop3A_515 : vector<16xi1>, vector<16xf32>
        %parallel_loop3A_586 = vector.broadcast %parallel_loop3A_519 : i32 to vector<16xi32>
        %parallel_loop3A_587 = arith.select %parallel_loop3A_584, %parallel_loop3A_586, %parallel_loop3A_517 : vector<16xi1>, vector<16xi32>
        %parallel_loop3A_588 = arith.constant 6 : i32
        %parallel_loop3A_589 = arith.addi %scan3A, %parallel_loop3A_588 : i32
        %parallel_loop3A_590 = arith.constant 16 : i32
        %parallel_loop3A_591 = arith.muli %parallel_loop3A_589, %parallel_loop3A_590 : i32
        %parallel_loop3A_592 = arith.index_cast %parallel_loop3A_591 : i32 to index
        %parallel_loop3A_593 = tpu.vector_load %arg9[%parallel_loop3A_592] {strides = array<i32>} : memref<4800xf32, #tpu.memory_space<vmem>>, vector<16xf32>,
        %parallel_loop3A_594 = arith.constant 800 : i32
        %parallel_loop3A_595 = arith.addi %parallel_loop3A_594, %parallel_loop3A_591 : i32
        %parallel_loop3A_596 = arith.index_cast %parallel_loop3A_595 : i32 to index
        %parallel_loop3A_597 = tpu.vector_load %arg9[%parallel_loop3A_596] {strides = array<i32>} : memref<4800xf32, #tpu.memory_space<vmem>>, vector<16xf32>,
        %parallel_loop3A_598 = arith.constant 1600 : i32
        %parallel_loop3A_599 = arith.addi %parallel_loop3A_598, %parallel_loop3A_591 : i32
        %parallel_loop3A_600 = arith.index_cast %parallel_loop3A_599 : i32 to index
        %parallel_loop3A_601 = tpu.vector_load %arg9[%parallel_loop3A_600] {strides = array<i32>} : memref<4800xf32, #tpu.memory_space<vmem>>, vector<16xf32>,
        %parallel_loop3A_602 = arith.constant 2400 : i32
        %parallel_loop3A_603 = arith.addi %parallel_loop3A_602, %parallel_loop3A_591 : i32
        %parallel_loop3A_604 = arith.index_cast %parallel_loop3A_603 : i32 to index
        %parallel_loop3A_605 = tpu.vector_load %arg9[%parallel_loop3A_604] {strides = array<i32>} : memref<4800xf32, #tpu.memory_space<vmem>>, vector<16xf32>,
        %parallel_loop3A_606 = arith.constant 3200 : i32
        %parallel_loop3A_607 = arith.addi %parallel_loop3A_606, %parallel_loop3A_591 : i32
        %parallel_loop3A_608 = arith.index_cast %parallel_loop3A_607 : i32 to index
        %parallel_loop3A_609 = tpu.vector_load %arg9[%parallel_loop3A_608] {strides = array<i32>} : memref<4800xf32, #tpu.memory_space<vmem>>, vector<16xf32>,
        %parallel_loop3A_610 = arith.constant 4000 : i32
        %parallel_loop3A_611 = arith.addi %parallel_loop3A_610, %parallel_loop3A_591 : i32
        %parallel_loop3A_612 = arith.index_cast %parallel_loop3A_611 : i32 to index
        %parallel_loop3A_613 = tpu.vector_load %arg9[%parallel_loop3A_612] {strides = array<i32>} : memref<4800xf32, #tpu.memory_space<vmem>>, vector<16xf32>,
        %parallel_loop3A_614 = arith.minimumf %parallel_loop3A_46, %parallel_loop3A_601 : vector<16xf32>
        %parallel_loop3A_615 = arith.maximumf %parallel_loop3A_32, %parallel_loop3A_593 : vector<16xf32>
        %parallel_loop3A_616 = arith.subf %parallel_loop3A_614, %parallel_loop3A_615 : vector<16xf32>
        %parallel_loop3A_617 = arith.constant 0.000000e+00 : f32
        %parallel_loop3A_618 = vector.broadcast %parallel_loop3A_617 : f32 to vector<16xf32>
        %parallel_loop3A_619 = arith.maximumf %parallel_loop3A_616, %parallel_loop3A_618 : vector<16xf32>
        %parallel_loop3A_620 = arith.minimumf %parallel_loop3A_53, %parallel_loop3A_605 : vector<16xf32>
        %parallel_loop3A_621 = arith.maximumf %parallel_loop3A_39, %parallel_loop3A_597 : vector<16xf32>
        %parallel_loop3A_622 = arith.subf %parallel_loop3A_620, %parallel_loop3A_621 : vector<16xf32>
        %parallel_loop3A_623 = arith.constant 0.000000e+00 : f32
        %parallel_loop3A_624 = vector.broadcast %parallel_loop3A_623 : f32 to vector<16xf32>
        %parallel_loop3A_625 = arith.maximumf %parallel_loop3A_622, %parallel_loop3A_624 : vector<16xf32>
        %parallel_loop3A_626 = arith.mulf %parallel_loop3A_619, %parallel_loop3A_625 : vector<16xf32>
        %parallel_loop3A_627 = arith.addf %parallel_loop3A_64, %parallel_loop3A_613 : vector<16xf32>
        %parallel_loop3A_628 = arith.subf %parallel_loop3A_627, %parallel_loop3A_626 : vector<16xf32>
        %parallel_loop3A_629 = arith.divf %parallel_loop3A_626, %parallel_loop3A_628 : vector<16xf32>
        %parallel_loop3A_630 = arith.cmpf oeq, %parallel_loop3A_61, %parallel_loop3A_609 : vector<16xf32>
        %parallel_loop3A_631 = arith.cmpf ogt, %parallel_loop3A_629, %parallel_loop3A_563 : vector<16xf32>
        %parallel_loop3A_632 = arith.andi %parallel_loop3A_630, %parallel_loop3A_631 : vector<16xi1>
        %parallel_loop3A_633 = arith.select %parallel_loop3A_632, %parallel_loop3A_629, %parallel_loop3A_563 : vector<16xi1>, vector<16xf32>
        %parallel_loop3A_634 = vector.broadcast %parallel_loop3A_589 : i32 to vector<16xi32>
        %parallel_loop3A_635 = arith.select %parallel_loop3A_632, %parallel_loop3A_634, %parallel_loop3A_565 : vector<16xi1>, vector<16xi32>
        %parallel_loop3A_636 = arith.minimumf %parallel_loop3A_85, %parallel_loop3A_601 : vector<16xf32>
        %parallel_loop3A_637 = arith.maximumf %parallel_loop3A_71, %parallel_loop3A_593 : vector<16xf32>
        %parallel_loop3A_638 = arith.subf %parallel_loop3A_636, %parallel_loop3A_637 : vector<16xf32>
        %parallel_loop3A_639 = arith.constant 0.000000e+00 : f32
        %parallel_loop3A_640 = vector.broadcast %parallel_loop3A_639 : f32 to vector<16xf32>
        %parallel_loop3A_641 = arith.maximumf %parallel_loop3A_638, %parallel_loop3A_640 : vector<16xf32>
        %parallel_loop3A_642 = arith.minimumf %parallel_loop3A_92, %parallel_loop3A_605 : vector<16xf32>
        %parallel_loop3A_643 = arith.maximumf %parallel_loop3A_78, %parallel_loop3A_597 : vector<16xf32>
        %parallel_loop3A_644 = arith.subf %parallel_loop3A_642, %parallel_loop3A_643 : vector<16xf32>
        %parallel_loop3A_645 = arith.constant 0.000000e+00 : f32
        %parallel_loop3A_646 = vector.broadcast %parallel_loop3A_645 : f32 to vector<16xf32>
        %parallel_loop3A_647 = arith.maximumf %parallel_loop3A_644, %parallel_loop3A_646 : vector<16xf32>
        %parallel_loop3A_648 = arith.mulf %parallel_loop3A_641, %parallel_loop3A_647 : vector<16xf32>
        %parallel_loop3A_649 = arith.addf %parallel_loop3A_103, %parallel_loop3A_613 : vector<16xf32>
        %parallel_loop3A_650 = arith.subf %parallel_loop3A_649, %parallel_loop3A_648 : vector<16xf32>
        %parallel_loop3A_651 = arith.divf %parallel_loop3A_648, %parallel_loop3A_650 : vector<16xf32>
        %parallel_loop3A_652 = arith.cmpf oeq, %parallel_loop3A_100, %parallel_loop3A_609 : vector<16xf32>
        %parallel_loop3A_653 = arith.cmpf ogt, %parallel_loop3A_651, %parallel_loop3A_585 : vector<16xf32>
        %parallel_loop3A_654 = arith.andi %parallel_loop3A_652, %parallel_loop3A_653 : vector<16xi1>
        %parallel_loop3A_655 = arith.select %parallel_loop3A_654, %parallel_loop3A_651, %parallel_loop3A_585 : vector<16xi1>, vector<16xf32>
        %parallel_loop3A_656 = vector.broadcast %parallel_loop3A_589 : i32 to vector<16xi32>
        %parallel_loop3A_657 = arith.select %parallel_loop3A_654, %parallel_loop3A_656, %parallel_loop3A_587 : vector<16xi1>, vector<16xi32>
        %parallel_loop3A_658 = arith.constant 7 : i32
        %parallel_loop3A_659 = arith.addi %scan3A, %parallel_loop3A_658 : i32
        %parallel_loop3A_660 = arith.constant 16 : i32
        %parallel_loop3A_661 = arith.muli %parallel_loop3A_659, %parallel_loop3A_660 : i32
        %parallel_loop3A_662 = arith.index_cast %parallel_loop3A_661 : i32 to index
        %parallel_loop3A_663 = tpu.vector_load %arg9[%parallel_loop3A_662] {strides = array<i32>} : memref<4800xf32, #tpu.memory_space<vmem>>, vector<16xf32>,
        %parallel_loop3A_664 = arith.constant 800 : i32
        %parallel_loop3A_665 = arith.addi %parallel_loop3A_664, %parallel_loop3A_661 : i32
        %parallel_loop3A_666 = arith.index_cast %parallel_loop3A_665 : i32 to index
        %parallel_loop3A_667 = tpu.vector_load %arg9[%parallel_loop3A_666] {strides = array<i32>} : memref<4800xf32, #tpu.memory_space<vmem>>, vector<16xf32>,
        %parallel_loop3A_668 = arith.constant 1600 : i32
        %parallel_loop3A_669 = arith.addi %parallel_loop3A_668, %parallel_loop3A_661 : i32
        %parallel_loop3A_670 = arith.index_cast %parallel_loop3A_669 : i32 to index
        %parallel_loop3A_671 = tpu.vector_load %arg9[%parallel_loop3A_670] {strides = array<i32>} : memref<4800xf32, #tpu.memory_space<vmem>>, vector<16xf32>,
        %parallel_loop3A_672 = arith.constant 2400 : i32
        %parallel_loop3A_673 = arith.addi %parallel_loop3A_672, %parallel_loop3A_661 : i32
        %parallel_loop3A_674 = arith.index_cast %parallel_loop3A_673 : i32 to index
        %parallel_loop3A_675 = tpu.vector_load %arg9[%parallel_loop3A_674] {strides = array<i32>} : memref<4800xf32, #tpu.memory_space<vmem>>, vector<16xf32>,
        %parallel_loop3A_676 = arith.constant 3200 : i32
        %parallel_loop3A_677 = arith.addi %parallel_loop3A_676, %parallel_loop3A_661 : i32
        %parallel_loop3A_678 = arith.index_cast %parallel_loop3A_677 : i32 to index
        %parallel_loop3A_679 = tpu.vector_load %arg9[%parallel_loop3A_678] {strides = array<i32>} : memref<4800xf32, #tpu.memory_space<vmem>>, vector<16xf32>,
        %parallel_loop3A_680 = arith.constant 4000 : i32
        %parallel_loop3A_681 = arith.addi %parallel_loop3A_680, %parallel_loop3A_661 : i32
        %parallel_loop3A_682 = arith.index_cast %parallel_loop3A_681 : i32 to index
        %parallel_loop3A_683 = tpu.vector_load %arg9[%parallel_loop3A_682] {strides = array<i32>} : memref<4800xf32, #tpu.memory_space<vmem>>, vector<16xf32>,
        %parallel_loop3A_684 = arith.minimumf %parallel_loop3A_46, %parallel_loop3A_671 : vector<16xf32>
        %parallel_loop3A_685 = arith.maximumf %parallel_loop3A_32, %parallel_loop3A_663 : vector<16xf32>
        %parallel_loop3A_686 = arith.subf %parallel_loop3A_684, %parallel_loop3A_685 : vector<16xf32>
        %parallel_loop3A_687 = arith.constant 0.000000e+00 : f32
        %parallel_loop3A_688 = vector.broadcast %parallel_loop3A_687 : f32 to vector<16xf32>
        %parallel_loop3A_689 = arith.maximumf %parallel_loop3A_686, %parallel_loop3A_688 : vector<16xf32>
        %parallel_loop3A_690 = arith.minimumf %parallel_loop3A_53, %parallel_loop3A_675 : vector<16xf32>
        %parallel_loop3A_691 = arith.maximumf %parallel_loop3A_39, %parallel_loop3A_667 : vector<16xf32>
        %parallel_loop3A_692 = arith.subf %parallel_loop3A_690, %parallel_loop3A_691 : vector<16xf32>
        %parallel_loop3A_693 = arith.constant 0.000000e+00 : f32
        %parallel_loop3A_694 = vector.broadcast %parallel_loop3A_693 : f32 to vector<16xf32>
        %parallel_loop3A_695 = arith.maximumf %parallel_loop3A_692, %parallel_loop3A_694 : vector<16xf32>
        %parallel_loop3A_696 = arith.mulf %parallel_loop3A_689, %parallel_loop3A_695 : vector<16xf32>
        %parallel_loop3A_697 = arith.addf %parallel_loop3A_64, %parallel_loop3A_683 : vector<16xf32>
        %parallel_loop3A_698 = arith.subf %parallel_loop3A_697, %parallel_loop3A_696 : vector<16xf32>
        %parallel_loop3A_699 = arith.divf %parallel_loop3A_696, %parallel_loop3A_698 : vector<16xf32>
        %parallel_loop3A_700 = arith.cmpf oeq, %parallel_loop3A_61, %parallel_loop3A_679 : vector<16xf32>
        %parallel_loop3A_701 = arith.cmpf ogt, %parallel_loop3A_699, %parallel_loop3A_633 : vector<16xf32>
        %parallel_loop3A_702 = arith.andi %parallel_loop3A_700, %parallel_loop3A_701 : vector<16xi1>
        %parallel_loop3A_703 = arith.select %parallel_loop3A_702, %parallel_loop3A_699, %parallel_loop3A_633 : vector<16xi1>, vector<16xf32>
        %parallel_loop3A_704 = vector.broadcast %parallel_loop3A_659 : i32 to vector<16xi32>
        %parallel_loop3A_705 = arith.select %parallel_loop3A_702, %parallel_loop3A_704, %parallel_loop3A_635 : vector<16xi1>, vector<16xi32>
        %parallel_loop3A_706 = arith.minimumf %parallel_loop3A_85, %parallel_loop3A_671 : vector<16xf32>
        %parallel_loop3A_707 = arith.maximumf %parallel_loop3A_71, %parallel_loop3A_663 : vector<16xf32>
        %parallel_loop3A_708 = arith.subf %parallel_loop3A_706, %parallel_loop3A_707 : vector<16xf32>
        %parallel_loop3A_709 = arith.constant 0.000000e+00 : f32
        %parallel_loop3A_710 = vector.broadcast %parallel_loop3A_709 : f32 to vector<16xf32>
        %parallel_loop3A_711 = arith.maximumf %parallel_loop3A_708, %parallel_loop3A_710 : vector<16xf32>
        %parallel_loop3A_712 = arith.minimumf %parallel_loop3A_92, %parallel_loop3A_675 : vector<16xf32>
        %parallel_loop3A_713 = arith.maximumf %parallel_loop3A_78, %parallel_loop3A_667 : vector<16xf32>
        %parallel_loop3A_714 = arith.subf %parallel_loop3A_712, %parallel_loop3A_713 : vector<16xf32>
        %parallel_loop3A_715 = arith.constant 0.000000e+00 : f32
        %parallel_loop3A_716 = vector.broadcast %parallel_loop3A_715 : f32 to vector<16xf32>
        %parallel_loop3A_717 = arith.maximumf %parallel_loop3A_714, %parallel_loop3A_716 : vector<16xf32>
        %parallel_loop3A_718 = arith.mulf %parallel_loop3A_711, %parallel_loop3A_717 : vector<16xf32>
        %parallel_loop3A_719 = arith.addf %parallel_loop3A_103, %parallel_loop3A_683 : vector<16xf32>
        %parallel_loop3A_720 = arith.subf %parallel_loop3A_719, %parallel_loop3A_718 : vector<16xf32>
        %parallel_loop3A_721 = arith.divf %parallel_loop3A_718, %parallel_loop3A_720 : vector<16xf32>
        %parallel_loop3A_722 = arith.cmpf oeq, %parallel_loop3A_100, %parallel_loop3A_679 : vector<16xf32>
        %parallel_loop3A_723 = arith.cmpf ogt, %parallel_loop3A_721, %parallel_loop3A_655 : vector<16xf32>
        %parallel_loop3A_724 = arith.andi %parallel_loop3A_722, %parallel_loop3A_723 : vector<16xi1>
        %parallel_loop3A_725 = arith.select %parallel_loop3A_724, %parallel_loop3A_721, %parallel_loop3A_655 : vector<16xi1>, vector<16xf32>
        %parallel_loop3A_726 = vector.broadcast %parallel_loop3A_659 : i32 to vector<16xi32>
        %parallel_loop3A_727 = arith.select %parallel_loop3A_724, %parallel_loop3A_726, %parallel_loop3A_657 : vector<16xi1>, vector<16xi32>
        %parallel_loop3A_728 = arith.constant 8 : i32
        %parallel_loop3A_729 = arith.addi %scan3A, %parallel_loop3A_728 : i32
        %parallel_loop3A_730 = arith.constant 16 : i32
        %parallel_loop3A_731 = arith.muli %parallel_loop3A_729, %parallel_loop3A_730 : i32
        %parallel_loop3A_732 = arith.index_cast %parallel_loop3A_731 : i32 to index
        %parallel_loop3A_733 = tpu.vector_load %arg9[%parallel_loop3A_732] {strides = array<i32>} : memref<4800xf32, #tpu.memory_space<vmem>>, vector<16xf32>,
        %parallel_loop3A_734 = arith.constant 800 : i32
        %parallel_loop3A_735 = arith.addi %parallel_loop3A_734, %parallel_loop3A_731 : i32
        %parallel_loop3A_736 = arith.index_cast %parallel_loop3A_735 : i32 to index
        %parallel_loop3A_737 = tpu.vector_load %arg9[%parallel_loop3A_736] {strides = array<i32>} : memref<4800xf32, #tpu.memory_space<vmem>>, vector<16xf32>,
        %parallel_loop3A_738 = arith.constant 1600 : i32
        %parallel_loop3A_739 = arith.addi %parallel_loop3A_738, %parallel_loop3A_731 : i32
        %parallel_loop3A_740 = arith.index_cast %parallel_loop3A_739 : i32 to index
        %parallel_loop3A_741 = tpu.vector_load %arg9[%parallel_loop3A_740] {strides = array<i32>} : memref<4800xf32, #tpu.memory_space<vmem>>, vector<16xf32>,
        %parallel_loop3A_742 = arith.constant 2400 : i32
        %parallel_loop3A_743 = arith.addi %parallel_loop3A_742, %parallel_loop3A_731 : i32
        %parallel_loop3A_744 = arith.index_cast %parallel_loop3A_743 : i32 to index
        %parallel_loop3A_745 = tpu.vector_load %arg9[%parallel_loop3A_744] {strides = array<i32>} : memref<4800xf32, #tpu.memory_space<vmem>>, vector<16xf32>,
        %parallel_loop3A_746 = arith.constant 3200 : i32
        %parallel_loop3A_747 = arith.addi %parallel_loop3A_746, %parallel_loop3A_731 : i32
        %parallel_loop3A_748 = arith.index_cast %parallel_loop3A_747 : i32 to index
        %parallel_loop3A_749 = tpu.vector_load %arg9[%parallel_loop3A_748] {strides = array<i32>} : memref<4800xf32, #tpu.memory_space<vmem>>, vector<16xf32>,
        %parallel_loop3A_750 = arith.constant 4000 : i32
        %parallel_loop3A_751 = arith.addi %parallel_loop3A_750, %parallel_loop3A_731 : i32
        %parallel_loop3A_752 = arith.index_cast %parallel_loop3A_751 : i32 to index
        %parallel_loop3A_753 = tpu.vector_load %arg9[%parallel_loop3A_752] {strides = array<i32>} : memref<4800xf32, #tpu.memory_space<vmem>>, vector<16xf32>,
        %parallel_loop3A_754 = arith.minimumf %parallel_loop3A_46, %parallel_loop3A_741 : vector<16xf32>
        %parallel_loop3A_755 = arith.maximumf %parallel_loop3A_32, %parallel_loop3A_733 : vector<16xf32>
        %parallel_loop3A_756 = arith.subf %parallel_loop3A_754, %parallel_loop3A_755 : vector<16xf32>
        %parallel_loop3A_757 = arith.constant 0.000000e+00 : f32
        %parallel_loop3A_758 = vector.broadcast %parallel_loop3A_757 : f32 to vector<16xf32>
        %parallel_loop3A_759 = arith.maximumf %parallel_loop3A_756, %parallel_loop3A_758 : vector<16xf32>
        %parallel_loop3A_760 = arith.minimumf %parallel_loop3A_53, %parallel_loop3A_745 : vector<16xf32>
        %parallel_loop3A_761 = arith.maximumf %parallel_loop3A_39, %parallel_loop3A_737 : vector<16xf32>
        %parallel_loop3A_762 = arith.subf %parallel_loop3A_760, %parallel_loop3A_761 : vector<16xf32>
        %parallel_loop3A_763 = arith.constant 0.000000e+00 : f32
        %parallel_loop3A_764 = vector.broadcast %parallel_loop3A_763 : f32 to vector<16xf32>
        %parallel_loop3A_765 = arith.maximumf %parallel_loop3A_762, %parallel_loop3A_764 : vector<16xf32>
        %parallel_loop3A_766 = arith.mulf %parallel_loop3A_759, %parallel_loop3A_765 : vector<16xf32>
        %parallel_loop3A_767 = arith.addf %parallel_loop3A_64, %parallel_loop3A_753 : vector<16xf32>
        %parallel_loop3A_768 = arith.subf %parallel_loop3A_767, %parallel_loop3A_766 : vector<16xf32>
        %parallel_loop3A_769 = arith.divf %parallel_loop3A_766, %parallel_loop3A_768 : vector<16xf32>
        %parallel_loop3A_770 = arith.cmpf oeq, %parallel_loop3A_61, %parallel_loop3A_749 : vector<16xf32>
        %parallel_loop3A_771 = arith.cmpf ogt, %parallel_loop3A_769, %parallel_loop3A_703 : vector<16xf32>
        %parallel_loop3A_772 = arith.andi %parallel_loop3A_770, %parallel_loop3A_771 : vector<16xi1>
        %parallel_loop3A_773 = arith.select %parallel_loop3A_772, %parallel_loop3A_769, %parallel_loop3A_703 : vector<16xi1>, vector<16xf32>
        %parallel_loop3A_774 = vector.broadcast %parallel_loop3A_729 : i32 to vector<16xi32>
        %parallel_loop3A_775 = arith.select %parallel_loop3A_772, %parallel_loop3A_774, %parallel_loop3A_705 : vector<16xi1>, vector<16xi32>
        %parallel_loop3A_776 = arith.minimumf %parallel_loop3A_85, %parallel_loop3A_741 : vector<16xf32>
        %parallel_loop3A_777 = arith.maximumf %parallel_loop3A_71, %parallel_loop3A_733 : vector<16xf32>
        %parallel_loop3A_778 = arith.subf %parallel_loop3A_776, %parallel_loop3A_777 : vector<16xf32>
        %parallel_loop3A_779 = arith.constant 0.000000e+00 : f32
        %parallel_loop3A_780 = vector.broadcast %parallel_loop3A_779 : f32 to vector<16xf32>
        %parallel_loop3A_781 = arith.maximumf %parallel_loop3A_778, %parallel_loop3A_780 : vector<16xf32>
        %parallel_loop3A_782 = arith.minimumf %parallel_loop3A_92, %parallel_loop3A_745 : vector<16xf32>
        %parallel_loop3A_783 = arith.maximumf %parallel_loop3A_78, %parallel_loop3A_737 : vector<16xf32>
        %parallel_loop3A_784 = arith.subf %parallel_loop3A_782, %parallel_loop3A_783 : vector<16xf32>
        %parallel_loop3A_785 = arith.constant 0.000000e+00 : f32
        %parallel_loop3A_786 = vector.broadcast %parallel_loop3A_785 : f32 to vector<16xf32>
        %parallel_loop3A_787 = arith.maximumf %parallel_loop3A_784, %parallel_loop3A_786 : vector<16xf32>
        %parallel_loop3A_788 = arith.mulf %parallel_loop3A_781, %parallel_loop3A_787 : vector<16xf32>
        %parallel_loop3A_789 = arith.addf %parallel_loop3A_103, %parallel_loop3A_753 : vector<16xf32>
        %parallel_loop3A_790 = arith.subf %parallel_loop3A_789, %parallel_loop3A_788 : vector<16xf32>
        %parallel_loop3A_791 = arith.divf %parallel_loop3A_788, %parallel_loop3A_790 : vector<16xf32>
        %parallel_loop3A_792 = arith.cmpf oeq, %parallel_loop3A_100, %parallel_loop3A_749 : vector<16xf32>
        %parallel_loop3A_793 = arith.cmpf ogt, %parallel_loop3A_791, %parallel_loop3A_725 : vector<16xf32>
        %parallel_loop3A_794 = arith.andi %parallel_loop3A_792, %parallel_loop3A_793 : vector<16xi1>
        %parallel_loop3A_795 = arith.select %parallel_loop3A_794, %parallel_loop3A_791, %parallel_loop3A_725 : vector<16xi1>, vector<16xf32>
        %parallel_loop3A_796 = vector.broadcast %parallel_loop3A_729 : i32 to vector<16xi32>
        %parallel_loop3A_797 = arith.select %parallel_loop3A_794, %parallel_loop3A_796, %parallel_loop3A_727 : vector<16xi1>, vector<16xi32>
        %parallel_loop3A_798 = arith.constant 9 : i32
        %parallel_loop3A_799 = arith.addi %scan3A, %parallel_loop3A_798 : i32
        %parallel_loop3A_800 = arith.constant 16 : i32
        %parallel_loop3A_801 = arith.muli %parallel_loop3A_799, %parallel_loop3A_800 : i32
        %parallel_loop3A_802 = arith.index_cast %parallel_loop3A_801 : i32 to index
        %parallel_loop3A_803 = tpu.vector_load %arg9[%parallel_loop3A_802] {strides = array<i32>} : memref<4800xf32, #tpu.memory_space<vmem>>, vector<16xf32>,
        %parallel_loop3A_804 = arith.constant 800 : i32
        %parallel_loop3A_805 = arith.addi %parallel_loop3A_804, %parallel_loop3A_801 : i32
        %parallel_loop3A_806 = arith.index_cast %parallel_loop3A_805 : i32 to index
        %parallel_loop3A_807 = tpu.vector_load %arg9[%parallel_loop3A_806] {strides = array<i32>} : memref<4800xf32, #tpu.memory_space<vmem>>, vector<16xf32>,
        %parallel_loop3A_808 = arith.constant 1600 : i32
        %parallel_loop3A_809 = arith.addi %parallel_loop3A_808, %parallel_loop3A_801 : i32
        %parallel_loop3A_810 = arith.index_cast %parallel_loop3A_809 : i32 to index
        %parallel_loop3A_811 = tpu.vector_load %arg9[%parallel_loop3A_810] {strides = array<i32>} : memref<4800xf32, #tpu.memory_space<vmem>>, vector<16xf32>,
        %parallel_loop3A_812 = arith.constant 2400 : i32
        %parallel_loop3A_813 = arith.addi %parallel_loop3A_812, %parallel_loop3A_801 : i32
        %parallel_loop3A_814 = arith.index_cast %parallel_loop3A_813 : i32 to index
        %parallel_loop3A_815 = tpu.vector_load %arg9[%parallel_loop3A_814] {strides = array<i32>} : memref<4800xf32, #tpu.memory_space<vmem>>, vector<16xf32>,
        %parallel_loop3A_816 = arith.constant 3200 : i32
        %parallel_loop3A_817 = arith.addi %parallel_loop3A_816, %parallel_loop3A_801 : i32
        %parallel_loop3A_818 = arith.index_cast %parallel_loop3A_817 : i32 to index
        %parallel_loop3A_819 = tpu.vector_load %arg9[%parallel_loop3A_818] {strides = array<i32>} : memref<4800xf32, #tpu.memory_space<vmem>>, vector<16xf32>,
        %parallel_loop3A_820 = arith.constant 4000 : i32
        %parallel_loop3A_821 = arith.addi %parallel_loop3A_820, %parallel_loop3A_801 : i32
        %parallel_loop3A_822 = arith.index_cast %parallel_loop3A_821 : i32 to index
        %parallel_loop3A_823 = tpu.vector_load %arg9[%parallel_loop3A_822] {strides = array<i32>} : memref<4800xf32, #tpu.memory_space<vmem>>, vector<16xf32>,
        %parallel_loop3A_824 = arith.minimumf %parallel_loop3A_46, %parallel_loop3A_811 : vector<16xf32>
        %parallel_loop3A_825 = arith.maximumf %parallel_loop3A_32, %parallel_loop3A_803 : vector<16xf32>
        %parallel_loop3A_826 = arith.subf %parallel_loop3A_824, %parallel_loop3A_825 : vector<16xf32>
        %parallel_loop3A_827 = arith.constant 0.000000e+00 : f32
        %parallel_loop3A_828 = vector.broadcast %parallel_loop3A_827 : f32 to vector<16xf32>
        %parallel_loop3A_829 = arith.maximumf %parallel_loop3A_826, %parallel_loop3A_828 : vector<16xf32>
        %parallel_loop3A_830 = arith.minimumf %parallel_loop3A_53, %parallel_loop3A_815 : vector<16xf32>
        %parallel_loop3A_831 = arith.maximumf %parallel_loop3A_39, %parallel_loop3A_807 : vector<16xf32>
        %parallel_loop3A_832 = arith.subf %parallel_loop3A_830, %parallel_loop3A_831 : vector<16xf32>
        %parallel_loop3A_833 = arith.constant 0.000000e+00 : f32
        %parallel_loop3A_834 = vector.broadcast %parallel_loop3A_833 : f32 to vector<16xf32>
        %parallel_loop3A_835 = arith.maximumf %parallel_loop3A_832, %parallel_loop3A_834 : vector<16xf32>
        %parallel_loop3A_836 = arith.mulf %parallel_loop3A_829, %parallel_loop3A_835 : vector<16xf32>
        %parallel_loop3A_837 = arith.addf %parallel_loop3A_64, %parallel_loop3A_823 : vector<16xf32>
        %parallel_loop3A_838 = arith.subf %parallel_loop3A_837, %parallel_loop3A_836 : vector<16xf32>
        %parallel_loop3A_839 = arith.divf %parallel_loop3A_836, %parallel_loop3A_838 : vector<16xf32>
        %parallel_loop3A_840 = arith.cmpf oeq, %parallel_loop3A_61, %parallel_loop3A_819 : vector<16xf32>
        %parallel_loop3A_841 = arith.cmpf ogt, %parallel_loop3A_839, %parallel_loop3A_773 : vector<16xf32>
        %parallel_loop3A_842 = arith.andi %parallel_loop3A_840, %parallel_loop3A_841 : vector<16xi1>
        %parallel_loop3A_843 = arith.select %parallel_loop3A_842, %parallel_loop3A_839, %parallel_loop3A_773 : vector<16xi1>, vector<16xf32>
        %parallel_loop3A_844 = vector.broadcast %parallel_loop3A_799 : i32 to vector<16xi32>
        %parallel_loop3A_845 = arith.select %parallel_loop3A_842, %parallel_loop3A_844, %parallel_loop3A_775 : vector<16xi1>, vector<16xi32>
        %parallel_loop3A_846 = arith.minimumf %parallel_loop3A_85, %parallel_loop3A_811 : vector<16xf32>
        %parallel_loop3A_847 = arith.maximumf %parallel_loop3A_71, %parallel_loop3A_803 : vector<16xf32>
        %parallel_loop3A_848 = arith.subf %parallel_loop3A_846, %parallel_loop3A_847 : vector<16xf32>
        %parallel_loop3A_849 = arith.constant 0.000000e+00 : f32
        %parallel_loop3A_850 = vector.broadcast %parallel_loop3A_849 : f32 to vector<16xf32>
        %parallel_loop3A_851 = arith.maximumf %parallel_loop3A_848, %parallel_loop3A_850 : vector<16xf32>
        %parallel_loop3A_852 = arith.minimumf %parallel_loop3A_92, %parallel_loop3A_815 : vector<16xf32>
        %parallel_loop3A_853 = arith.maximumf %parallel_loop3A_78, %parallel_loop3A_807 : vector<16xf32>
        %parallel_loop3A_854 = arith.subf %parallel_loop3A_852, %parallel_loop3A_853 : vector<16xf32>
        %parallel_loop3A_855 = arith.constant 0.000000e+00 : f32
        %parallel_loop3A_856 = vector.broadcast %parallel_loop3A_855 : f32 to vector<16xf32>
        %parallel_loop3A_857 = arith.maximumf %parallel_loop3A_854, %parallel_loop3A_856 : vector<16xf32>
        %parallel_loop3A_858 = arith.mulf %parallel_loop3A_851, %parallel_loop3A_857 : vector<16xf32>
        %parallel_loop3A_859 = arith.addf %parallel_loop3A_103, %parallel_loop3A_823 : vector<16xf32>
        %parallel_loop3A_860 = arith.subf %parallel_loop3A_859, %parallel_loop3A_858 : vector<16xf32>
        %parallel_loop3A_861 = arith.divf %parallel_loop3A_858, %parallel_loop3A_860 : vector<16xf32>
        %parallel_loop3A_862 = arith.cmpf oeq, %parallel_loop3A_100, %parallel_loop3A_819 : vector<16xf32>
        %parallel_loop3A_863 = arith.cmpf ogt, %parallel_loop3A_861, %parallel_loop3A_795 : vector<16xf32>
        %parallel_loop3A_864 = arith.andi %parallel_loop3A_862, %parallel_loop3A_863 : vector<16xi1>
        %parallel_loop3A_865 = arith.select %parallel_loop3A_864, %parallel_loop3A_861, %parallel_loop3A_795 : vector<16xi1>, vector<16xf32>
        %parallel_loop3A_866 = vector.broadcast %parallel_loop3A_799 : i32 to vector<16xi32>
        %parallel_loop3A_867 = arith.select %parallel_loop3A_864, %parallel_loop3A_866, %parallel_loop3A_797 : vector<16xi1>, vector<16xi32>
        scf.yield %parallel_loop3A_843, %parallel_loop3A_845, %parallel_loop3A_865, %parallel_loop3A_867 : vector<16xf32>, vector<16xi32>, vector<16xf32>, vector<16xi32>
      }
      %parallel_loop3A_109 = arith.constant 50 : i32
      %parallel_loop3A_110 = arith.constant 5.000000e-01 : f32
      %parallel_loop3A_111 = vector.broadcast %parallel_loop3A_110 : f32 to vector<16xf32>
      %parallel_loop3A_112 = arith.cmpf ogt, %parallel_loop3A_108#0, %parallel_loop3A_111 : vector<16xf32>
      %parallel_loop3A_113 = arith.constant 0.000000e+00 : f32
      %parallel_loop3A_114 = vector.broadcast %parallel_loop3A_113 : f32 to vector<16xf32>
      %parallel_loop3A_115 = arith.cmpf ogt, %parallel_loop3A_57, %parallel_loop3A_114 : vector<16xf32>
      %parallel_loop3A_116 = arith.andi %parallel_loop3A_112, %parallel_loop3A_115 : vector<16xi1>
      %parallel_loop3A_117 = arith.constant 5.000000e-01 : f32
      %parallel_loop3A_118 = vector.broadcast %parallel_loop3A_117 : f32 to vector<16xf32>
      %parallel_loop3A_119 = arith.cmpf ogt, %parallel_loop3A_108#2, %parallel_loop3A_118 : vector<16xf32>
      %parallel_loop3A_120 = arith.constant 0.000000e+00 : f32
      %parallel_loop3A_121 = vector.broadcast %parallel_loop3A_120 : f32 to vector<16xf32>
      %parallel_loop3A_122 = arith.cmpf ogt, %parallel_loop3A_96, %parallel_loop3A_121 : vector<16xf32>
      %parallel_loop3A_123 = arith.andi %parallel_loop3A_119, %parallel_loop3A_122 : vector<16xi1>
      %parallel_loop3A_124 = arith.constant 64 : i32
      %parallel_loop3A_125 = vector.broadcast %parallel_loop3A_124 : i32 to vector<16xi32>
      %parallel_loop3A_126 = arith.select %parallel_loop3A_116, %parallel_loop3A_108#1, %parallel_loop3A_125 : vector<16xi1>, vector<16xi32>
      %parallel_loop3A_127 = arith.index_cast %parallel_loop3A_23 : i32 to index
      %parallel_loop3A_128 = tpu.vector_load %arg10[%parallel_loop3A_127] {strides = array<i32>} : memref<640xi32, #tpu.memory_space<vmem>>, vector<16xi32>,
      tpu.vector_store %arg10[%parallel_loop3A_127], %parallel_loop3A_126 {strides = array<i32>} : memref<640xi32, #tpu.memory_space<vmem>>, vector<16xi32>,
      %parallel_loop3A_129 = arith.constant 64 : i32
      %parallel_loop3A_130 = vector.broadcast %parallel_loop3A_129 : i32 to vector<16xi32>
      %parallel_loop3A_131 = arith.select %parallel_loop3A_123, %parallel_loop3A_108#3, %parallel_loop3A_130 : vector<16xi1>, vector<16xi32>
      %parallel_loop3A_132 = arith.index_cast %parallel_loop3A_25 : i32 to index
      %parallel_loop3A_133 = tpu.vector_load %arg10[%parallel_loop3A_132] {strides = array<i32>} : memref<640xi32, #tpu.memory_space<vmem>>, vector<16xi32>,
      tpu.vector_store %arg10[%parallel_loop3A_132], %parallel_loop3A_131 {strides = array<i32>} : memref<640xi32, #tpu.memory_space<vmem>>, vector<16xi32>,
      %parallel_loop3A_134 = arith.constant 0.000000e+00 : f32
      %parallel_loop3A_135 = vector.broadcast %parallel_loop3A_134 : f32 to vector<16xf32>
      %parallel_loop3A_136 = arith.cmpf ogt, %parallel_loop3A_57, %parallel_loop3A_135 : vector<16xf32>
      %parallel_loop3A_137 = arith.constant 0.000000e+00 : f32
      %parallel_loop3A_138 = vector.broadcast %parallel_loop3A_137 : f32 to vector<16xf32>
      %parallel_loop3A_139 = arith.select %parallel_loop3A_136, %parallel_loop3A_57, %parallel_loop3A_138 : vector<16xi1>, vector<16xf32>
      %parallel_loop3A_140 = arith.index_cast %parallel_loop3A_23 : i32 to index
      %parallel_loop3A_141 = tpu.vector_load %arg13[%parallel_loop3A_140] {strides = array<i32>} : memref<640xf32, #tpu.memory_space<vmem>>, vector<16xf32>,
      tpu.vector_store %arg13[%parallel_loop3A_140], %parallel_loop3A_139 {strides = array<i32>} : memref<640xf32, #tpu.memory_space<vmem>>, vector<16xf32>,
      %parallel_loop3A_142 = arith.constant 0.000000e+00 : f32
      %parallel_loop3A_143 = vector.broadcast %parallel_loop3A_142 : f32 to vector<16xf32>
      %parallel_loop3A_144 = arith.cmpf ogt, %parallel_loop3A_96, %parallel_loop3A_143 : vector<16xf32>
      %parallel_loop3A_145 = arith.constant 0.000000e+00 : f32
      %parallel_loop3A_146 = vector.broadcast %parallel_loop3A_145 : f32 to vector<16xf32>
      %parallel_loop3A_147 = arith.select %parallel_loop3A_144, %parallel_loop3A_96, %parallel_loop3A_146 : vector<16xi1>, vector<16xf32>
      %parallel_loop3A_148 = arith.index_cast %parallel_loop3A_25 : i32 to index
      %parallel_loop3A_149 = tpu.vector_load %arg13[%parallel_loop3A_148] {strides = array<i32>} : memref<640xf32, #tpu.memory_space<vmem>>, vector<16xf32>,
      tpu.vector_store %arg13[%parallel_loop3A_148], %parallel_loop3A_147 {strides = array<i32>} : memref<640xf32, #tpu.memory_space<vmem>>, vector<16xf32>,
      %parallel_loop3A_150 = arith.constant 0.000000e+00 : f32
      %parallel_loop3A_151 = vector.broadcast %parallel_loop3A_150 : f32 to vector<16xf32>
      %parallel_loop3A_152 = arith.cmpf ogt, %parallel_loop3A_57, %parallel_loop3A_151 : vector<16xf32>
      %parallel_loop3A_153 = arith.constant 0.000000e+00 : f32
      %parallel_loop3A_154 = vector.broadcast %parallel_loop3A_153 : f32 to vector<16xf32>
      %parallel_loop3A_155 = arith.select %parallel_loop3A_152, %parallel_loop3A_61, %parallel_loop3A_154 : vector<16xi1>, vector<16xf32>
      %parallel_loop3A_156 = arith.index_cast %parallel_loop3A_23 : i32 to index
      %parallel_loop3A_157 = tpu.vector_load %arg14[%parallel_loop3A_156] {strides = array<i32>} : memref<640xf32, #tpu.memory_space<vmem>>, vector<16xf32>,
      tpu.vector_store %arg14[%parallel_loop3A_156], %parallel_loop3A_155 {strides = array<i32>} : memref<640xf32, #tpu.memory_space<vmem>>, vector<16xf32>,
      %parallel_loop3A_158 = arith.constant 0.000000e+00 : f32
      %parallel_loop3A_159 = vector.broadcast %parallel_loop3A_158 : f32 to vector<16xf32>
      %parallel_loop3A_160 = arith.cmpf ogt, %parallel_loop3A_96, %parallel_loop3A_159 : vector<16xf32>
      %parallel_loop3A_161 = arith.constant 0.000000e+00 : f32
      %parallel_loop3A_162 = vector.broadcast %parallel_loop3A_161 : f32 to vector<16xf32>
      %parallel_loop3A_163 = arith.select %parallel_loop3A_160, %parallel_loop3A_100, %parallel_loop3A_162 : vector<16xi1>, vector<16xf32>
      %parallel_loop3A_164 = arith.index_cast %parallel_loop3A_25 : i32 to index
      %parallel_loop3A_165 = tpu.vector_load %arg14[%parallel_loop3A_164] {strides = array<i32>} : memref<640xf32, #tpu.memory_space<vmem>>, vector<16xf32>,
      tpu.vector_store %arg14[%parallel_loop3A_164], %parallel_loop3A_163 {strides = array<i32>} : memref<640xf32, #tpu.memory_space<vmem>>, vector<16xf32>,
    } {sc.loop_unroll_factor = 1 : i64, sc.parallel_access}
    %mul3A_13 = arith.constant 640 : i32
    %mul3A_14 = arith.muli %shift_right_arithmetic3A_1, %mul3A_13 : i32
    "tpu.region"() ({
      %run_scoped3A = tpu.sem_alloc : memref<!tpu.dma_semaphore, #tpu.memory_space<semaphore_mem>>
      %dma_start3A = tpu.memref_slice %arg15[%and3A_0, %mul3A_14] : memref<8x1280xi32, #tpu.memory_space<vmem_shared>> -> memref<1x640xi32, #tpu.memory_space<vmem_shared>>
      %dma_start3A_21 = tpu.memref_squeeze %dma_start3A : memref<1x640xi32, #tpu.memory_space<vmem_shared>> -> memref<640xi32, #tpu.memory_space<vmem_shared>>
      %dma_start3A_22 = tpu.memref_slice %arg15[%and3A_0, %mul3A_14] : memref<8x1280xi32, #tpu.memory_space<vmem_shared>> -> memref<1x640xi32, #tpu.memory_space<vmem_shared>>
      %dma_start3A_23 = tpu.memref_squeeze %dma_start3A_22 : memref<1x640xi32, #tpu.memory_space<vmem_shared>> -> memref<640xi32, #tpu.memory_space<vmem_shared>>
      tpu.enqueue_dma source(%arg10 : memref<640xi32, #tpu.memory_space<vmem>>) target(%dma_start3A_23 : memref<640xi32, #tpu.memory_space<vmem_shared>>) target_semaphore(%run_scoped3A : memref<!tpu.dma_semaphore, #tpu.memory_space<semaphore_mem>>)
      %dma_wait3A = tpu.memref_slice %arg15[%and3A_0, %mul3A_14] : memref<8x1280xi32, #tpu.memory_space<vmem_shared>> -> memref<1x640xi32, #tpu.memory_space<vmem_shared>>
      %dma_wait3A_24 = tpu.memref_squeeze %dma_wait3A : memref<1x640xi32, #tpu.memory_space<vmem_shared>> -> memref<640xi32, #tpu.memory_space<vmem_shared>>
      %dma_wait3A_25 = tpu.memref_slice %arg15[%and3A_0, %mul3A_14] : memref<8x1280xi32, #tpu.memory_space<vmem_shared>> -> memref<1x640xi32, #tpu.memory_space<vmem_shared>>
      %dma_wait3A_26 = tpu.memref_squeeze %dma_wait3A_25 : memref<1x640xi32, #tpu.memory_space<vmem_shared>> -> memref<640xi32, #tpu.memory_space<vmem_shared>>
      tpu.wait_dma2 semaphore(%run_scoped3A : memref<!tpu.dma_semaphore, #tpu.memory_space<semaphore_mem>>) src(%arg10 : memref<640xi32, #tpu.memory_space<vmem>>) dst(%dma_wait3A_26 : memref<640xi32, #tpu.memory_space<vmem_shared>>)
      tpu.yield
    }) : () -> ()
    %mul3A_15 = arith.constant 640 : i32
    %mul3A_16 = arith.muli %shift_right_arithmetic3A_1, %mul3A_15 : i32
    "tpu.region"() ({
      %run_scoped3A = tpu.sem_alloc : memref<!tpu.dma_semaphore, #tpu.memory_space<semaphore_mem>>
      %dma_start3A = tpu.memref_slice %arg5[%add3A, %mul3A_16] : memref<16x1280xf32, #tpu.memory_space<hbm>> -> memref<1x640xf32, #tpu.memory_space<hbm>>
      %dma_start3A_21 = tpu.memref_squeeze %dma_start3A : memref<1x640xf32, #tpu.memory_space<hbm>> -> memref<640xf32, #tpu.memory_space<hbm>>
      %dma_start3A_22 = tpu.memref_slice %arg5[%add3A, %mul3A_16] : memref<16x1280xf32, #tpu.memory_space<hbm>> -> memref<1x640xf32, #tpu.memory_space<hbm>>
      %dma_start3A_23 = tpu.memref_squeeze %dma_start3A_22 : memref<1x640xf32, #tpu.memory_space<hbm>> -> memref<640xf32, #tpu.memory_space<hbm>>
      tpu.enqueue_dma source(%arg13 : memref<640xf32, #tpu.memory_space<vmem>>) target(%dma_start3A_23 : memref<640xf32, #tpu.memory_space<hbm>>) target_semaphore(%run_scoped3A : memref<!tpu.dma_semaphore, #tpu.memory_space<semaphore_mem>>)
      %dma_wait3A = tpu.memref_slice %arg5[%add3A, %mul3A_16] : memref<16x1280xf32, #tpu.memory_space<hbm>> -> memref<1x640xf32, #tpu.memory_space<hbm>>
      %dma_wait3A_24 = tpu.memref_squeeze %dma_wait3A : memref<1x640xf32, #tpu.memory_space<hbm>> -> memref<640xf32, #tpu.memory_space<hbm>>
      %dma_wait3A_25 = tpu.memref_slice %arg5[%add3A, %mul3A_16] : memref<16x1280xf32, #tpu.memory_space<hbm>> -> memref<1x640xf32, #tpu.memory_space<hbm>>
      %dma_wait3A_26 = tpu.memref_squeeze %dma_wait3A_25 : memref<1x640xf32, #tpu.memory_space<hbm>> -> memref<640xf32, #tpu.memory_space<hbm>>
      tpu.wait_dma2 semaphore(%run_scoped3A : memref<!tpu.dma_semaphore, #tpu.memory_space<semaphore_mem>>) src(%arg13 : memref<640xf32, #tpu.memory_space<vmem>>) dst(%dma_wait3A_26 : memref<640xf32, #tpu.memory_space<hbm>>)
      tpu.yield
    }) : () -> ()
    %mul3A_17 = arith.constant 640 : i32
    %mul3A_18 = arith.muli %shift_right_arithmetic3A_1, %mul3A_17 : i32
    "tpu.region"() ({
      %run_scoped3A = tpu.sem_alloc : memref<!tpu.dma_semaphore, #tpu.memory_space<semaphore_mem>>
      %dma_start3A = tpu.memref_slice %arg6[%add3A, %mul3A_18] : memref<16x1280xf32, #tpu.memory_space<hbm>> -> memref<1x640xf32, #tpu.memory_space<hbm>>
      %dma_start3A_21 = tpu.memref_squeeze %dma_start3A : memref<1x640xf32, #tpu.memory_space<hbm>> -> memref<640xf32, #tpu.memory_space<hbm>>
      %dma_start3A_22 = tpu.memref_slice %arg6[%add3A, %mul3A_18] : memref<16x1280xf32, #tpu.memory_space<hbm>> -> memref<1x640xf32, #tpu.memory_space<hbm>>
      %dma_start3A_23 = tpu.memref_squeeze %dma_start3A_22 : memref<1x640xf32, #tpu.memory_space<hbm>> -> memref<640xf32, #tpu.memory_space<hbm>>
      tpu.enqueue_dma source(%arg14 : memref<640xf32, #tpu.memory_space<vmem>>) target(%dma_start3A_23 : memref<640xf32, #tpu.memory_space<hbm>>) target_semaphore(%run_scoped3A : memref<!tpu.dma_semaphore, #tpu.memory_space<semaphore_mem>>)
      %dma_wait3A = tpu.memref_slice %arg6[%add3A, %mul3A_18] : memref<16x1280xf32, #tpu.memory_space<hbm>> -> memref<1x640xf32, #tpu.memory_space<hbm>>
      %dma_wait3A_24 = tpu.memref_squeeze %dma_wait3A : memref<1x640xf32, #tpu.memory_space<hbm>> -> memref<640xf32, #tpu.memory_space<hbm>>
      %dma_wait3A_25 = tpu.memref_slice %arg6[%add3A, %mul3A_18] : memref<16x1280xf32, #tpu.memory_space<hbm>> -> memref<1x640xf32, #tpu.memory_space<hbm>>
      %dma_wait3A_26 = tpu.memref_squeeze %dma_wait3A_25 : memref<1x640xf32, #tpu.memory_space<hbm>> -> memref<640xf32, #tpu.memory_space<hbm>>
      tpu.wait_dma2 semaphore(%run_scoped3A : memref<!tpu.dma_semaphore, #tpu.memory_space<semaphore_mem>>) src(%arg14 : memref<640xf32, #tpu.memory_space<vmem>>) dst(%dma_wait3A_26 : memref<640xf32, #tpu.memory_space<hbm>>)
      tpu.yield
    }) : () -> ()
    %barrier3A = arith.constant 0 : index
    tpu.barrier barrier_id(%barrier3A)
    %eq3A = arith.constant 0 : i32
    %eq3A_19 = arith.cmpi eq, %shift_right_arithmetic3A_1, %eq3A : i32
    %convert_element_type3A = arith.extui %eq3A_19 : i1 to i32
    %cond3A = arith.constant 0 : i32
    %cond3A_20 = arith.cmpi ne, %convert_element_type3A, %cond3A : i32
    scf.if %cond3A_20 {
      "tpu.region"() ({
        %run_scoped3A = tpu.sem_alloc : memref<!tpu.dma_semaphore, #tpu.memory_space<semaphore_mem>>
        %dma_start3A = arith.constant 0 : i32
        %dma_start3A_28 = tpu.memref_slice %arg15[%and3A_0, %dma_start3A] : memref<8x1280xi32, #tpu.memory_space<vmem_shared>> -> memref<1x1280xi32, #tpu.memory_space<vmem_shared>>
        %dma_start3A_29 = tpu.memref_squeeze %dma_start3A_28 : memref<1x1280xi32, #tpu.memory_space<vmem_shared>> -> memref<1280xi32, #tpu.memory_space<vmem_shared>>
        %dma_start3A_30 = arith.constant 0 : i32
        %dma_start3A_31 = tpu.memref_slice %arg15[%and3A_0, %dma_start3A_30] : memref<8x1280xi32, #tpu.memory_space<vmem_shared>> -> memref<1x1280xi32, #tpu.memory_space<vmem_shared>>
        %dma_start3A_32 = tpu.memref_squeeze %dma_start3A_31 : memref<1x1280xi32, #tpu.memory_space<vmem_shared>> -> memref<1280xi32, #tpu.memory_space<vmem_shared>>
        tpu.enqueue_dma source(%dma_start3A_32 : memref<1280xi32, #tpu.memory_space<vmem_shared>>) target(%arg11 : memref<1280xi32, #tpu.memory_space<vmem>>) target_semaphore(%run_scoped3A : memref<!tpu.dma_semaphore, #tpu.memory_space<semaphore_mem>>)
        %dma_wait3A = arith.constant 0 : i32
        %dma_wait3A_33 = tpu.memref_slice %arg15[%and3A_0, %dma_wait3A] : memref<8x1280xi32, #tpu.memory_space<vmem_shared>> -> memref<1x1280xi32, #tpu.memory_space<vmem_shared>>
        %dma_wait3A_34 = tpu.memref_squeeze %dma_wait3A_33 : memref<1x1280xi32, #tpu.memory_space<vmem_shared>> -> memref<1280xi32, #tpu.memory_space<vmem_shared>>
        %dma_wait3A_35 = arith.constant 0 : i32
        %dma_wait3A_36 = tpu.memref_slice %arg15[%and3A_0, %dma_wait3A_35] : memref<8x1280xi32, #tpu.memory_space<vmem_shared>> -> memref<1x1280xi32, #tpu.memory_space<vmem_shared>>
        %dma_wait3A_37 = tpu.memref_squeeze %dma_wait3A_36 : memref<1x1280xi32, #tpu.memory_space<vmem_shared>> -> memref<1280xi32, #tpu.memory_space<vmem_shared>>
        tpu.wait_dma2 semaphore(%run_scoped3A : memref<!tpu.dma_semaphore, #tpu.memory_space<semaphore_mem>>) src(%dma_wait3A_37 : memref<1280xi32, #tpu.memory_space<vmem_shared>>) dst(%arg11 : memref<1280xi32, #tpu.memory_space<vmem>>)
        tpu.yield
      }) : () -> ()
      %scan3A = arith.constant 0 : i32
      %scan3A_21 = arith.constant 0 : i32
      %scan3A_22 = arith.constant 0 : i32
      %scan3A_23 = arith.constant 80 : i32
      %scan3A_24 = arith.addi %scan3A_22, %scan3A_23 : i32
      %scan3A_25 = arith.constant 1 : i32
      %scan3A_26:2 = scf.for %scan3A_28 = %scan3A_22 to %scan3A_24 step %scan3A_25 iter_args(%scan3A_29 = %scan3A, %scan3A_30 = %scan3A_21) -> (i32, i32)  : i32 {
        %mul3A_31 = arith.constant 16 : i32
        %mul3A_32 = arith.muli %scan3A_28, %mul3A_31 : i32
        %get3A = arith.index_cast %mul3A_32 : i32 to index
        %get3A_33 = tpu.vector_load %arg11[%get3A] {strides = array<i32>} : memref<1280xi32, #tpu.memory_space<vmem>>, vector<16xi32>,
        %rev3A = arith.constant 15 : i32
        %rev3A_34 = vector.broadcast %rev3A : i32 to vector<16xi32>
        %rev3A_35 = tpu.iota {dimensions = array<i32: 0>} : vector<16xi32>
        %rev3A_36 = arith.subi %rev3A_34, %rev3A_35 : vector<16xi32>
        %rev3A_37 = tpu.dynamic_gather %get3A_33[%rev3A_36] in [0] : vector<16xi32>, vector<16xi32> -> vector<16xi32>
        %and3A_38 = arith.constant 31 : i32
        %and3A_39 = vector.broadcast %and3A_38 : i32 to vector<16xi32>
        %and3A_40 = arith.andi %rev3A_37, %and3A_39 : vector<16xi32>
        %lt3A = arith.constant 32 : i32
        %lt3A_41 = vector.broadcast %lt3A : i32 to vector<16xi32>
        %lt3A_42 = arith.cmpi slt, %rev3A_37, %lt3A_41 : vector<16xi32>
        %broadcast_in_dim3A_43 = vector.broadcast %scan3A_29 : i32 to vector<16xi32>
        %broadcast_in_dim3A_44 = vector.broadcast %scan3A_30 : i32 to vector<16xi32>
        %select_n3A = arith.select %lt3A_42, %broadcast_in_dim3A_43, %broadcast_in_dim3A_44 : vector<16xi1>, vector<16xi32>
        %shift_right_arithmetic3A_45 = arith.shrsi %select_n3A, %and3A_40 : vector<16xi32>
        %and3A_46 = arith.constant 1 : i32
        %and3A_47 = vector.broadcast %and3A_46 : i32 to vector<16xi32>
        %and3A_48 = arith.andi %shift_right_arithmetic3A_45, %and3A_47 : vector<16xi32>
        %eq3A_49 = arith.constant 1 : i32
        %eq3A_50 = vector.broadcast %eq3A_49 : i32 to vector<16xi32>
        %eq3A_51 = arith.cmpi eq, %and3A_48, %eq3A_50 : vector<16xi32>
        %lt3A_52 = arith.constant 64 : i32
        %lt3A_53 = vector.broadcast %lt3A_52 : i32 to vector<16xi32>
        %lt3A_54 = arith.cmpi slt, %rev3A_37, %lt3A_53 : vector<16xi32>
        %not3A = arith.constant dense<true> : vector<16xi1>
        %not3A_55 = arith.xori %eq3A_51, %not3A : vector<16xi1>
        %and3A_56 = arith.andi %lt3A_54, %not3A_55 : vector<16xi1>
        %unique3A, %unique3A_57 = tpu.scan_count mask(%and3A_56 : vector<16xi1>) value(%rev3A_37 : vector<16xi32>) : vector<16xi1>, vector<16xi32>
        %and3A_58 = arith.andi %unique3A, %and3A_56 : vector<16xi1>
        %shift_left3A = arith.constant 1 : i32
        %shift_left3A_59 = vector.broadcast %shift_left3A : i32 to vector<16xi32>
        %shift_left3A_60 = arith.shli %shift_left3A_59, %and3A_40 : vector<16xi32>
        %jit3A = arith.constant 0 : i32
        %broadcast_in_dim3A_61 = vector.broadcast %jit3A : i32 to vector<16xi32>
        %select_n3A_62 = arith.select %and3A_58, %shift_left3A_60, %broadcast_in_dim3A_61 : vector<16xi1>, vector<16xi32>
        %jit3A_63 = arith.constant 0 : i32
        %broadcast_in_dim3A_64 = vector.broadcast %jit3A_63 : i32 to vector<16xi32>
        %select_n3A_65 = arith.select %lt3A_42, %select_n3A_62, %broadcast_in_dim3A_64 : vector<16xi1>, vector<16xi32>
        %reduce_sum3A = arith.constant true
        %reduce_sum3A_66 = vector.broadcast %reduce_sum3A : i1 to vector<16xi1>
        %reduce_sum3A_67 = tpu.scan <sum>, %select_n3A_65 masked %reduce_sum3A_66 : vector<16xi32>, vector<16xi1> -> vector<16xi32>
        %reduce_sum3A_68 = vector.extract %reduce_sum3A_67[15] : i32 from vector<16xi32>
        %or3A = arith.ori %scan3A_29, %reduce_sum3A_68 : i32
        %jit3A_69 = arith.constant 0 : i32
        %broadcast_in_dim3A_70 = vector.broadcast %jit3A_69 : i32 to vector<16xi32>
        %select_n3A_71 = arith.select %lt3A_42, %broadcast_in_dim3A_70, %select_n3A_62 : vector<16xi1>, vector<16xi32>
        %reduce_sum3A_72 = arith.constant true
        %reduce_sum3A_73 = vector.broadcast %reduce_sum3A_72 : i1 to vector<16xi1>
        %reduce_sum3A_74 = tpu.scan <sum>, %select_n3A_71 masked %reduce_sum3A_73 : vector<16xi32>, vector<16xi1> -> vector<16xi32>
        %reduce_sum3A_75 = vector.extract %reduce_sum3A_74[15] : i32 from vector<16xi32>
        %or3A_76 = arith.ori %scan3A_30, %reduce_sum3A_75 : i32
        %jit3A_77 = arith.constant 1 : i32
        %jit3A_78 = arith.constant 0 : i32
        %broadcast_in_dim3A_79 = vector.broadcast %jit3A_77 : i32 to vector<16xi32>
        %broadcast_in_dim3A_80 = vector.broadcast %jit3A_78 : i32 to vector<16xi32>
        %select_n3A_81 = arith.select %and3A_58, %broadcast_in_dim3A_79, %broadcast_in_dim3A_80 : vector<16xi1>, vector<16xi32>
        %rev3A_82 = arith.constant 15 : i32
        %rev3A_83 = vector.broadcast %rev3A_82 : i32 to vector<16xi32>
        %rev3A_84 = tpu.iota {dimensions = array<i32: 0>} : vector<16xi32>
        %rev3A_85 = arith.subi %rev3A_83, %rev3A_84 : vector<16xi32>
        %rev3A_86 = tpu.dynamic_gather %select_n3A_81[%rev3A_85] in [0] : vector<16xi32>, vector<16xi32> -> vector<16xi32>
        %swap3A = arith.index_cast %mul3A_32 : i32 to index
        %swap3A_87 = tpu.vector_load %arg12[%swap3A] {strides = array<i32>} : memref<1280xi32, #tpu.memory_space<vmem>>, vector<16xi32>,
        tpu.vector_store %arg12[%swap3A], %rev3A_86 {strides = array<i32>} : memref<1280xi32, #tpu.memory_space<vmem>>, vector<16xi32>,
        scf.yield %or3A, %or3A_76 : i32, i32
      }
      %scan3A_27 = arith.constant 80 : i32
      "tpu.region"() ({
        %run_scoped3A = tpu.sem_alloc : memref<!tpu.dma_semaphore, #tpu.memory_space<semaphore_mem>>
        %dma_start3A = arith.constant 0 : i32
        %dma_start3A_28 = tpu.memref_slice %arg4[%add3A, %dma_start3A] : memref<16x1280xi32, #tpu.memory_space<hbm>> -> memref<1x1280xi32, #tpu.memory_space<hbm>>
        %dma_start3A_29 = tpu.memref_squeeze %dma_start3A_28 : memref<1x1280xi32, #tpu.memory_space<hbm>> -> memref<1280xi32, #tpu.memory_space<hbm>>
        %dma_start3A_30 = arith.constant 0 : i32
        %dma_start3A_31 = tpu.memref_slice %arg4[%add3A, %dma_start3A_30] : memref<16x1280xi32, #tpu.memory_space<hbm>> -> memref<1x1280xi32, #tpu.memory_space<hbm>>
        %dma_start3A_32 = tpu.memref_squeeze %dma_start3A_31 : memref<1x1280xi32, #tpu.memory_space<hbm>> -> memref<1280xi32, #tpu.memory_space<hbm>>
        tpu.enqueue_dma source(%arg12 : memref<1280xi32, #tpu.memory_space<vmem>>) target(%dma_start3A_32 : memref<1280xi32, #tpu.memory_space<hbm>>) target_semaphore(%run_scoped3A : memref<!tpu.dma_semaphore, #tpu.memory_space<semaphore_mem>>)
        %dma_wait3A = arith.constant 0 : i32
        %dma_wait3A_33 = tpu.memref_slice %arg4[%add3A, %dma_wait3A] : memref<16x1280xi32, #tpu.memory_space<hbm>> -> memref<1x1280xi32, #tpu.memory_space<hbm>>
        %dma_wait3A_34 = tpu.memref_squeeze %dma_wait3A_33 : memref<1x1280xi32, #tpu.memory_space<hbm>> -> memref<1280xi32, #tpu.memory_space<hbm>>
        %dma_wait3A_35 = arith.constant 0 : i32
        %dma_wait3A_36 = tpu.memref_slice %arg4[%add3A, %dma_wait3A_35] : memref<16x1280xi32, #tpu.memory_space<hbm>> -> memref<1x1280xi32, #tpu.memory_space<hbm>>
        %dma_wait3A_37 = tpu.memref_squeeze %dma_wait3A_36 : memref<1x1280xi32, #tpu.memory_space<hbm>> -> memref<1280xi32, #tpu.memory_space<hbm>>
        tpu.wait_dma2 semaphore(%run_scoped3A : memref<!tpu.dma_semaphore, #tpu.memory_space<semaphore_mem>>) src(%arg12 : memref<1280xi32, #tpu.memory_space<vmem>>) dst(%dma_wait3A_37 : memref<1280xi32, #tpu.memory_space<hbm>>)
        tpu.yield
      }) : () -> ()
    } else {
    }
    return
  }
}

</mosaic_0001>

<sc_bundles>
// kernel: kernel.3.cloned.1.call-start
scs
__scs_entry_jumppad:
0x0: {  	(pc) =	sbr.rel $0x88, $3  }
0x1: {  	(tag) =	ssettag $0x0;
	lr =	simm.s32 $0x1  }
0x2: {  	[smem:$0x3F9F] =	sst lr;
	_ =	strace $0xD0000000  }
0x3: {  	_ = 	snop  }
0x4: {  	_ = 	snop  }
0x5: {  	_ = 	snop  }
0x6: {  	_ = 	snop  }
0x7: {  	_ = 	snop  }
__scs_overlays_trampoline_lowered:
0x8: {  	[smem:$0x3FAE] =	sst s0  }
0x9: {  	[smem:$0x3FAF] =	sst s1  }
0xa: {  	[smem:$0x3FB0] =	sst s2  }
0xb: {  	[smem:$0x3FB1] =	sst s3  }
0xc: {  	[smem:$0x3FB2] =	sst s4  }
0xd: {  	[smem:$0x3FB3] =	sst s5  }
0xe: {  	[smem:$0x3FB4] =	sst s6  }
0xf: {  	[smem:$0x3FB5] =	sst s7  }
0x10: {  	[smem:$0x3FB6] =	sst s8  }
0x11: {  	[smem:$0x3FB7] =	sst s9;
	s0 =	simm.s32 @!p0 $0x0  }
0x12: {  	s1 =	sld [smem:$0x3F9D];
	s0 =	simm.s32 @p0 $0x1  }
0x13: {  	[smem:$0x3FB8] =	sst s0;
	s0 =	simm.s32 @!p1 $0x0  }
0x14: {  	s2 =	sld [smem:$0x3F9C];
	s0 =	simm.s32 @p1 $0x1  }
0x15: {  	[smem:$0x3FB9] =	sst s0;
	s0 =	simm.s32 @!p2 $0x0  }
0x16: {  	s3 =	sld [smem:$0x3FDB];
	s0 =	simm.s32 @p2 $0x1  }
0x17: {  	s4 =	simm.s32 $0x1BF5;
	[smem:$0x3FBB] =	sst s0  }
0x18: {  	s0 =	sld [smem:$0x3F9E];
	_ =	swait.ge [sflag:s4], $0x0  }
0x19: {  	s7 =	sld [smem:$0x3F9F]  }
0x1a: {  	s8 =	sadd.s32 $0xFFFFE003, lr  }
0x1b: {  	s9 =	sadd.s32 $0xFFFFFEF7, lr;
	s5 =	simm.s32 $0xFFFFFFFF;
	p2 =	slt.u32 s8, $0xFFFFF086  }
0x1c: {  	p1 =	slt.u32 s9, $0xF7A;
	s5 =	simm.s32 @!p2 $0x0  }
0x1d: {  	s5 =	simm.s32 @p1 $0x1;
	p0 =	seq.s32 s7, s2  }
0x1e: {  	s7 =	smul.u32 @!p0 $0xF7A, s2;
	p2 =	seq.s32 @!p0 s5, $0x0  }
0x1f: {  	s9 =	smul.u32 $0xF7A, s1;
	s8 =	simm.s32 @!p0 $0x1BF5;
	p2 =	por !p2, p0  }
0x20: {  	[sflag:s8] =	ssyncset.s32 @!p0 $0xFFFFF086;
	s6 =	sadd.s32 @!p0 s3, s7;
	s7 =	simm.s32 @!p0 $0x108  }
0x21: {  	s3 =	sadd.s32 s3, s9;
	s6 =	sadd.s32 @!p0 $0x88, s6;
	s7 =	simm.s32 @p2 $0x1082  }
0x22: {  	[simem:s7], [sflag:s8] =	dma.local @!p0 [hbm:s6], $0xF7A  }
0x23: {  	s9 =	sor.u32 $0xD0000000, s2;
	s6 =	simm.s32 $0x108;
	_ =	swait.ge @!p0 [sflag:s8], $0x0  }
0x24: {  	s3 =	sadd.s32 $0x88, s3;
	s6 =	simm.s32 @!p1 $0x1082;
	[sflag:s4] =	ssyncset.s32 $0xFFFFF086  }
0x25: {  	[simem:s6], [sflag:s4] =	dma.local [hbm:s3], $0xF7A  }
0x26: {  	[smem:$0x3F9F] =	sst s1;
	(tag) =	ssettag s2;
	_ =	strace s9  }
0x27: {  	s1 =	sld [smem:$0x3FAF]  }
0x28: {  	s2 =	sld [smem:$0x3FB0]  }
0x29: {  	s4 =	sld [smem:$0x3FB2]  }
0x2a: {  	p0 =	seq.s32 s5, $0x0;
	s5 =	sld [smem:$0x3FB3]  }
0x2b: {  	s6 =	sld [smem:$0x3FB4]  }
0x2c: {  	s7 =	sld [smem:$0x3FB5]  }
0x2d: {  	s3 =	simm.s32 $0x108;
	s8 =	sld [smem:$0x3FB6]  }
0x2e: {  	s3 =	simm.s32 @!p0 $0x1082;
	s9 =	sld [smem:$0x3FB7]  }
0x2f: {  	lr =	sadd.s32 s0, s3;
	s0 =	sld [smem:$0x3FAE]  }
0x30: {  	s3 =	sld [smem:$0x3FB1]  }
0x31: {  	[smem:$0x3FBA] =	sst s10  }
0x32: {  	s10 =	sld [smem:$0x3FB8];
	_ =	sdelay $0x3  }
0x33: {  	p0 =	seq.s32 s10, $0x1;
	s10 =	sld [smem:$0x3FBA];
	_ =	sdelay $0x3  }
0x34: {  	[smem:$0x3FBA] =	sst s10  }
0x35: {  	s10 =	sld [smem:$0x3FB9];
	_ =	sdelay $0x3  }
0x36: {  	p1 =	seq.s32 s10, $0x1;
	s10 =	sld [smem:$0x3FBA];
	_ =	sdelay $0x3  }
0x37: {  	[smem:$0x3FBA] =	sst s10  }
0x38: {  	s10 =	sld [smem:$0x3FBB]  }
0x39: {  	_ = 	snop;
	(pc) =	sbr.ind lr, $3  }
0x3a: {  	_ = 	snop  }
0x3b: {  	_ = 	snop  }
0x3c: {  	p2 =	seq.s32 s10, $0x1;
	s10 =	sld [smem:$0x3FBA]  }
0x3d: {  	_ =	shalt  }
0x3e: {  	_ =	shalt  }
0x3f: {  	_ =	shalt  }
0x40: {  	_ =	shalt  }
0x41: {  	_ =	shalt  }
0x42: {  	_ =	shalt  }
0x43: {  	_ =	shalt  }
0x44: {  	_ =	shalt  }
0x45: {  	_ =	shalt  }
0x46: {  	_ =	shalt  }
0x47: {  	_ =	shalt  }
0x48: {  	_ =	shalt  }
0x49: {  	_ =	shalt  }
0x4a: {  	_ =	shalt  }
0x4b: {  	_ =	shalt  }
0x4c: {  	_ =	shalt  }
0x4d: {  	_ =	shalt  }
0x4e: {  	_ =	shalt  }
0x4f: {  	_ =	shalt  }
0x50: {  	_ =	shalt  }
0x51: {  	_ =	shalt  }
0x52: {  	_ =	shalt  }
0x53: {  	_ =	shalt  }
0x54: {  	_ =	shalt  }
0x55: {  	_ =	shalt  }
0x56: {  	_ =	shalt  }
0x57: {  	_ =	shalt  }
0x58: {  	_ =	shalt  }
0x59: {  	_ =	shalt  }
0x5a: {  	_ =	shalt  }
0x5b: {  	_ =	shalt  }
0x5c: {  	_ =	shalt  }
0x5d: {  	_ =	shalt  }
0x5e: {  	_ =	shalt  }
0x5f: {  	_ =	shalt  }
0x60: {  	_ =	shalt  }
0x61: {  	_ =	shalt  }
0x62: {  	_ =	shalt  }
0x63: {  	_ =	shalt  }
0x64: {  	_ =	shalt  }
0x65: {  	_ =	shalt  }
0x66: {  	_ =	shalt  }
0x67: {  	_ =	shalt  }
0x68: {  	_ =	shalt  }
0x69: {  	_ =	shalt  }
0x6a: {  	_ =	shalt  }
0x6b: {  	_ =	shalt  }
0x6c: {  	_ =	shalt  }
0x6d: {  	_ =	shalt  }
0x6e: {  	_ =	shalt  }
0x6f: {  	_ =	shalt  }
0x70: {  	_ =	shalt  }
0x71: {  	_ =	shalt  }
0x72: {  	_ =	shalt  }
0x73: {  	_ =	shalt  }
0x74: {  	_ =	shalt  }
0x75: {  	_ =	shalt  }
0x76: {  	_ =	shalt  }
0x77: {  	_ =	shalt  }
0x78: {  	_ =	shalt  }
0x79: {  	_ =	shalt  }
0x7a: {  	_ =	shalt  }
0x7b: {  	_ =	shalt  }
0x7c: {  	_ =	shalt  }
0x7d: {  	_ =	shalt  }
0x7e: {  	_ =	shalt  }
0x7f: {  	_ =	shalt  }
0x80: {  	_ =	shalt  }
0x81: {  	_ =	shalt  }
0x82: {  	_ =	shalt  }
0x83: {  	_ =	shalt  }
0x84: {  	_ =	shalt  }
0x85: {  	_ =	shalt  }
0x86: {  	_ =	shalt  }
0x87: {  	_ =	shalt  }
.Lfunc_end0:
.L_simem_size_0:
called_computation_lowered:
.L_overlay_start_0:
0x88: {  	s2 =	sld [smem:$0x3FD9]  }
0x89: {  	s3 =	sld [smem:$0x3FFE];
	_ =	sdelay $0x1  }
0x8a: {  	s1 =	srdreg.scid  }
0x8b: {  	s0 =	sand.u32 $0x1, s1  }
0x8c: {  	s14 =	sshll.u32 s0, $0xA;
	s2 =	sadd.s32 s3, s2  }
0x8d: {  	s2 =	sadd.s32 s2, s14  }
0x8e: {  	[smem:$0x3FC6] =	sst s2  }
0x8f: {  	_ = 	snop  }
0x90: {  	s2 =	sld [smem:$0x3FD0];
	_ =	sdelay $0x2  }
0x91: {  	s15 =	simm.s32 $0xA;
	s4 =	simm.s32 $0x10  }
0x92: {  	[smem:s4], [sflag:s15] =	dma.local [hbm:s2], $0x1  }
0x93: {  	_ =	swait.eq [sflag:s15], $0x1  }
0x94: {  	s16 =	sld [smem:$0x10];
	[sflag:s15] =	ssyncset.done $0x0  }
0x95: {  	s17 =	sld [smem:$0x11];
	[sflag:s15] =	ssyncadd.s32 $0xFFFFFFFF  }
0x96: {  	s18 =	sld [smem:$0x12];
	(tm) =	ssettm $0x1  }
0x97: {  	s5 =	sld [smem:$0x3FFB];
	_ =	sdelay $0x3  }
0x98: {  	_ =	strace s5  }
0x99: {  	s5 =	sld [smem:$0x3FFC];
	_ =	sdelay $0x3  }
0x9a: {  	_ =	strace s5  }
0x9b: {  	s5 =	sld [smem:$0x3FFD];
	_ =	sdelay $0x3  }
0x9c: {  	_ =	strace s5  }
0x9d: {  	_ =	strace $0x8FFFFFFF  }
0x9e: {  	s19 =	sld [smem:$0x3FDB];
	_ =	sdelay $0x1  }
0x9f: {  	s6 =	simm.s32 $_scs_section_size  }
0xa0: {  	s7 =	simm.s32 $_size__tile_overlayer_lowered;
	s8 =	simm.s32 $_tile_overlayer_lowered  }
0xa1: {  	s22 =	simm.s32 $0x1BFF;
	s21 =	sshll.u32 s8, $0x1;
	s5 =	sadd.s32 s6, s19  }
0xa2: {  	s9 =	simm.s32 $0x0;
	s20 =	sshll.u32 s7, $0x1;
	s7 =	sadd.s32 s21, s5  }
0xa3: {  	[timem:s9], [sflag:s22] =	dma.local [hbm:s7], s20  }
0xa4: {  	_ =	swait.ge [sflag:s22], s20  }
0xa5: {  	s6 =	ssub.s32 $0x0, s20;
	[sflag:s22] =	ssyncset.done $0x0  }
0xa6: {  	[sflag:s22] =	ssyncadd.s32 s6;
	_ =	sdelay $0x1  }
0xa7: {  	s23 =	simm.s32 $0x1B8B  }
0xa8: {  	_ =	swait.ge [sflag:s23], $0x1  }
0xa9: {  	[sflag:s23] =	ssyncset.done $0x0  }
0xaa: {  	s25 =	simm.s32 $0x1B8E;
	s24 =	sld [smem:$0x3FFE];
	[sflag:s23] =	ssyncadd.s32 $0xFFFFFFFF  }
0xab: {  	s26 =	simm.s32 $execute0_lowered;
	[smem:$0x3FD2] =	sst s25  }
0xac: {  	s7 =	sshll.u32 s26, $0x1;
	_ =	strace $0x80000046;
	[dreg:$0x1] =	wrdreg $0xFFFFFFFF  }
0xad: {  	s28 =	simm.s32 $_size_execute0_lowered;
	s5 =	sadd.s32 s5, s7;
	[dreg:$0x0] =	wrdreg $0x0  }
0xae: {  	s7 =	sshll.u32 s28, $0x1;
	[dreg:$0x2] =	wrdreg s5  }
0xaf: {  	[dreg:$0x3] =	wrdreg s7  }
0xb0: {  	[dreg:$0x4] =	wrdreg $0xC0  }
0xb1: {  	_ =	task [dreg:s9], $0x5FFFF  }
0xb2: {  	[dreg:$0x1] =	wrdreg $0xFFFFFFFF  }
0xb3: {  	[dreg:$0x0] =	wrdreg $0x60  }
0xb4: {  	[dreg:$0x2] =	wrdreg s24  }
0xb5: {  	[dreg:$0x3] =	wrdreg s16  }
0xb6: {  	[dreg:$0x4] =	wrdreg s17  }
0xb7: {  	[dreg:$0x5] =	wrdreg s18  }
0xb8: {  	[dreg:$0x6] =	wrdreg $0x3A800  }
0xb9: {  	[dreg:$0x7] =	wrdreg $0x9  }
0xba: {  	_ =	task.clear_ibuf [dreg:s9], $0x8FFFF;
	_ =	strace $0x90000046  }
0xbb: {  	s29 =	simm.s32 $0x9;
	_ =	strace $0x80000048  }
0xbc: {  	_ =	swait.ge [sflag:s29], $0x1  }
0xbd: {  	[sflag:s29] =	ssyncadd.s32 $0xFFFFFFFF  }
0xbe: {  	_ =	strace $0x90000048  }
0xbf: {  	_ =	sfence  }
0xc0: {  	s30 =	sld [smem:$0x0];
	_ =	sdelay $0x2  }
0xc1: {  	s31 =	sshll.u32 s1, $0xD;
	s1 =	sshrl.u32 s1, $0x2  }
0xc2: {  	s3 =	sand.u32 $0x4000, s31;
	s1 =	sadd.s32 s1, s30  }
0xc3: {  	s0 =	sor.u32 s3, s0;
	s1 =	sshll.u32 s1, $0x11  }
0xc4: {  	s0 =	sor.u32 s1, s0  }
0xc5: {  	s0 =	sadd.s32 $0x8F2B, s0  }
0xc6: {  	[sflag:s0] =	ssyncadd.remote.s32 $0x1  }
0xc7: {  	_ =	sfence.sel $0xFFFF  }
0xc8: {  	[dreg:$0x0] =	wrdreg $0xFFFFFFFF;
	(pc) =	sbr.abs _section_cstart, $3  }
0xc9: {  	[dreg:$0x1] =	wrdreg $0xFFFFFFFF  }
0xca: {  	_ =	task.clear_ibuf [dreg:s9], $0x2FFFF;
	_ =	strace $0x9FFFFFFF  }
0xcb: {  	(tm) =	ssettm $0x7FFFFFFF  }
tec
execute0_lowered:
.L_overlay_start_1:
0x0: {  	(tag) =	ssettag $0x1  }
0x1: {  	s0 =	rddreg [dreg:$0x0]  }
0x2: {  	s1 =	rddreg [dreg:$0x1]  }
0x3: {  	s2 =	srdreg.scid;
	s5 =	rddreg [dreg:$0x2]  }
0x4: {  	s4 =	stileid.u32;
	s8 =	rddreg [dreg:$0x3]  }
0x5: {  	s7 =	rddreg [dreg:$0x4];
	s16 =	simm.s32 $0x5000;
	s17 =	simm.s32 $0x400  }
0x6: {  	s21 =	simm.s32 $0x1;
	s24 =	simm.s32 $0x3800;
	s3 =	sand.u32 $0x1, s2  }
0x7: {  	s28 =	simm.s32 $0x0;
	s9 =	sshrl.u32 s4, $0x3;
	s6 =	smul.u32 $0x2800, s3  }
0x8: {  	s2 =	simm.s32 $0x0;
	s11 =	sshll.u32 s4, $0x7;
	s10 =	smul.u32 $0x1400, s9  }
0x9: {  	[smem:$0x7FF] =	sst s2;
	s12 =	sand.u32 $0x380, s11;
	s13 =	sshll.u32 s3, $0xC  }
0xa: {  	s3 =	ssub.s32 $0x2, s3;
	p0 =	sne.s32 s9, $0x0;
	_ =	strace $0x80000047  }
0xb: {  	s29 =	sor.u32 s13, s12;
	s30 =	sshrl.u32 s3, $0x1;
	s7 =	sadd.s32 s12, s7  }
0xc: {  	s26 =	sadd.s32 s6, s10;
	s13 =	ssub.s32 s3, s30;
	s31 =	sor.u32 s11, s6  }
0xd: {  	[dreg:$0x6] =	wrdreg s7;
	s6 =	sadd.s32 s10, s7;
	s4 =	sor.u32 s12, s26  }
0xe: {  	s10 =	smax.u32 s13, $0x1;
	s14 =	sshrl.u32 s4, $0x3;
	s4 =	sshrl.u32 s29, $0x3  }
.Ltmp0:
0xf: {  	v0 =	vlaneseq.u32;
	s15 =	sadd.s32 s14, s0;
	s0 =	sadd.s32 s4, s0;
	(pc) =	sbr.rel .LBB2_1-.Ltmp0, $4  }
0x10: {  	v0 =	vmul.u32 $0xFFFFFFFF, v0;
	s7 =	sadd.s32 s5, s14;
	s8 =	sadd.s32 s8, s14;
	s3 =	sadd.s32 $0xE00, s15  }
0x11: {  	s4 =	sadd.s32 $0xA00, s0;
	s0 =	sshrl.u32 s31, $0x3;
	s11 =	sadd.s32 $0xE80, s15  }
0x12: {  	v3 =	vadd.s32 $0xF, v0;
	s12 =	sadd.s32 $0xF00, s15;
	s13 =	sadd.s32 $0xF80, s15;
	s0 =	sadd.s32 s1, s0  }
0x13: {  	[tilespmem:$0x1FFF0] =	vst v3;
	s14 =	sadd.s32 $0x1000, s15;
	s15 =	simm.s32 $0x80;
	[dreg:$0x7] =	wrdreg s0  }
.LBB2_11:
0x14: {  	s28 =	sadd.s32 $0x1, s28  }
0x15: {  	p1 =	sne.s32 s28, s10  }
.Ltmp1:
0x16: {  	_ = 	snop;
	(pc) =	sbr.rel @!p1 .LBB2_12-.Ltmp1, $1  }
0x17: {  	_ =	sdelay $0x3  }
.LBB2_1:
0x18: {  	[tilespmem:s2], [sflag:$0x1] =	stream.strided.gather [hbm4b:s3+s15], $0x300, s16, s15, $0x38;
	[tilespmem:$0x3D00] =	vst v63  }
0x19: {  	_ = 	snop  }
0x1a: {  	[tilespmem:s17], [sflag:$0x1] =	stream.strided.gather [hbm4b:s11+s15], $0x300, s16, s15, $0x38;
	[tilespmem:$0x3D00] =	vst v63  }
0x1b: {  	s0 =	simm.s32 $0x800  }
0x1c: {  	[tilespmem:s0], [sflag:$0x1] =	stream.strided.gather [hbm4b:s12+s15], $0x300, s16, s15, $0x38;
	[tilespmem:$0x3D00] =	vst v63  }
0x1d: {  	s5 =	simm.s32 $0xC00  }
0x1e: {  	[tilespmem:s5], [sflag:$0x1] =	stream.strided.gather [hbm4b:s13+s15], $0x300, s16, s15, $0x38;
	[tilespmem:$0x3D00] =	vst v63  }
0x1f: {  	s9 =	simm.s32 $0x1000  }
0x20: {  	[tilespmem:s9], [sflag:$0x1] =	stream.strided.gather [hbm4b:s14+s15], $0x300, s16, s15, $0x38;
	[tilespmem:$0x3D00] =	vst v63  }
0x21: {  	_ =	swait.ge [sflag:s21], $0xF00  }
0x22: {  	[sflag:s21] =	ssyncset.done $0x0  }
0x23: {  	s18 =	simm.s32 $0x1400;
	[sflag:s21] =	ssyncadd.s32 $0xFFFFF100  }
0x24: {  	[tilespmem:s18], [sflag:$0x1] =	stream.strided.gather [hbm4b:s4+s15], $0x200, s17, s15, $0x38;
	[tilespmem:$0x3D00] =	vst v63  }
0x25: {  	_ =	swait.ge [sflag:s21], $0x200  }
0x26: {  	[sflag:s21] =	ssyncset.done $0x0  }
0x27: {  	[sflag:s21] =	ssyncadd.s32 $0xFFFFFE00  }
0x28: {  	v0 =	vld [tilespmem:s18+$0x0];
	_ =	sdelay $0x4  }
0x29: {  	s19 =	simm.s32 $0x1408;
	(v2sf) =	vpush v0, $0x0  }
0x2a: {  	v6 =	vld [tilespmem:s19+$0x0];
	(v2sf) =	vpush v0, $0x1  }
0x2b: {  	(v2sf) =	vpush v0, $0x2;
	_ =	sdelay $0x1  }
0x2c: {  	(v2sf) =	vpush v0, $0x3;
	_ =	sdelay $0x1  }
0x2d: {  	(v2sf) =	vpush v6, $0x0  }
0x2e: {  	(v2sf) =	vpush v6, $0x1  }
0x2f: {  	(v2sf) =	vpush v6, $0x2;
	_ =	sdelay $0x1  }
0x30: {  	s20 =	simm.s32 $0x1410  }
0x31: {  	v4 =	vld [tilespmem:s20+$0x0];
	_ =	sdelay $0x1  }
0x32: {  	(v2sf) =	vpush v6, $0x3  }
0x33: {  	s5 =	simm.s32 $0x1418  }
0x34: {  	v3 =	vld [tilespmem:s5+$0x0];
	s22 =	spop (v2sf)  }
0x35: {  	(v2sf) =	vpush v4, $0x0;
	s1 =	spop (v2sf)  }
0x36: {  	s9 =	spop (v2sf);
	(v2sf) =	vpush v4, $0x1  }
0x37: {  	s0 =	smul.f32 $5.120000000e+02, s22;
	(v2sf) =	vpush v4, $0x2  }
0x38: {  	s1 =	smul.f32 $5.120000000e+02, s1;
	s20 =	spop (v2sf);
	(v2sf) =	vpush v4, $0x3  }
0x39: {  	s26 =	simm.s32 $0x1C40;
	s23 =	smul.f32 $5.120000000e+02, s9;
	v1 =	vmov s0;
	(v2sf) =	vpush v3, $0x0  }
0x3a: {  	s9 =	smul.f32 $5.120000000e+02, s20;
	s22 =	spop (v2sf);
	[tilespmem:s26+$0xFFFFF9C0] =	vst v1;
	v1 =	vmov s1;
	(v2sf) =	vpush v3, $0x1  }
0x3b: {  	s18 =	ssub.f32 s23, s0;
	[tilespmem:s26+$0xFFFFFCE0] =	vst v1;
	v1 =	vmov s23;
	s23 =	spop (v2sf);
	(v2sf) =	vpush v3, $0x2  }
0x3c: {  	s29 =	smul.f32 $5.120000000e+02, s22;
	s22 =	spop (v2sf);
	(v2sf) =	vpush v3, $0x3  }
0x3d: {  	s19 =	ssub.f32 s9, s1  }
0x3e: {  	s30 =	simm.s32 $0x1420  }
0x3f: {  	s25 =	simm.s32 $0x10;
	v5 =	vld [tilespmem:s30+$0x0];
	v0 =	vbroadcast v0, $0x4;
	[tilespmem:s26+$0x0] =	vst v1;
	v1 =	vmov s9;
	s19 =	smul.f32 s19, s18  }
0x40: {  	s0 =	simm.s32 $0x30;
	s31 =	smul.f32 $5.120000000e+02, s23;
	s23 =	sand.u32 $0x3F0, s2;
	[tilespmem:s26+$0x320] =	vst v1  }
0x41: {  	s1 =	simm.s32 $0x20;
	s5 =	smul.f32 $5.120000000e+02, s22;
	s20 =	spop (v2sf);
	[tilespmem:s23+$0x2280] =	vst v0;
	v0 =	vmov s19  }
0x42: {  	s9 =	simm.s32 $0x40;
	s18 =	smul.f32 $5.120000000e+02, s20;
	s19 =	simm.s32 $0x50;
	[tilespmem:s26+$0x960] =	vst v0  }
.LBB2_2:
0x43: {  	p1 =	sne.s32 s19, $0x310;
	s20 =	ssub.f32 s5, s29;
	s26 =	sadd.s32 $0x10, s26  }
0x44: {  	(v2sf) =	vpush v5, $0x0;
	v0 =	vmov s29;
	v1 =	vmov v5;
	s22 =	smov.u32 s1;
	s1 =	smov.u32 s0;
	s0 =	smov.u32 s9  }
0x45: {  	s9 =	spop (v2sf)  }
0x46: {  	s30 =	sadd.s32 $0x8, s30;
	[tilespmem:s26+$0xFFFFF9C0] =	vst v0;
	v0 =	vmov s31;
	s31 =	ssub.f32 s18, s31;
	s29 =	smul.f32 $5.120000000e+02, s9  }
.Ltmp2:
0x47: {  	v5 =	vld [tilespmem:s30+$0x0];
	(v2sf) =	vpush v1, $0x1;
	[tilespmem:s26+$0xFFFFFCE0] =	vst v0;
	v0 =	vmov s5;
	(pc) =	sbr.rel @p1 .LBB2_2-.Ltmp2, $4  }
0x48: {  	v2 =	vbroadcast v6, $0x4;
	v6 =	vmovc v4;
	v4 =	vmovc v3;
	s9 =	smov.u32 s19;
	(v2sf) =	vpush v1, $0x2;
	s5 =	spop (v2sf);
	[tilespmem:s26+$0x0] =	vst v0;
	v0 =	vmov s18;
	s18 =	smul.f32 s31, s20  }
0x49: {  	v3 =	vmov v1;
	s20 =	sand.u32 $0x3F0, s25;
	(v2sf) =	vpush v1, $0x3;
	s31 =	smul.f32 $5.120000000e+02, s5;
	s5 =	spop (v2sf);
	[tilespmem:s26+$0x320] =	vst v0  }
0x4a: {  	s25 =	smov.u32 s22;
	s5 =	smul.f32 $5.120000000e+02, s5;
	s23 =	spop (v2sf);
	[tilespmem:s20+$0x2280] =	vst v2;
	v0 =	vmov s18  }
0x4b: {  	s19 =	sadd.s32 $0x10, s19;
	s18 =	smul.f32 $5.120000000e+02, s23;
	[tilespmem:s26+$0x960] =	vst v0  }
0x4c: {  	(v2sf) =	vpush v5, $0x0;
	s19 =	ssub.f32 s5, s29  }
0x4d: {  	s20 =	spop (v2sf);
	s22 =	ssub.f32 s18, s31  }
0x4e: {  	(v2sf) =	vpush v5, $0x1;
	s20 =	smul.f32 $5.120000000e+02, s20  }
0x4f: {  	v0 =	vmov s29;
	s23 =	sadd.s32 $0x10, s26;
	s26 =	spop (v2sf);
	(v2sf) =	vpush v5, $0x2;
	s19 =	smul.f32 s22, s19  }
0x50: {  	v42 =	vmov s31;
	[tilespmem:s23+$0xFFFFF9C0] =	vst v0;
	s30 =	spop (v2sf);
	(v2sf) =	vpush v5, $0x3;
	s22 =	smul.f32 $5.120000000e+02, s26  }
0x51: {  	v43 =	vmov s5;
	[tilespmem:s23+$0xFFFFFCE0] =	vst v42;
	s5 =	smul.f32 $5.120000000e+02, s30;
	s31 =	spop (v2sf)  }
0x52: {  	v1 =	vbroadcast v6, $0x4;
	[tilespmem:s23+$0x0] =	vst v43;
	v44 =	vmov s18;
	s18 =	smul.f32 $5.120000000e+02, s31  }
0x53: {  	s25 =	sand.u32 $0x3F0, s25;
	[tilespmem:s23+$0x320] =	vst v44;
	s26 =	ssub.f32 s5, s20  }
0x54: {  	[tilespmem:s25+$0x2280] =	vst v1;
	v45 =	vmov s19;
	s31 =	ssub.f32 s18, s22;
	s30 =	spop (v2sf)  }
0x55: {  	v46 =	vmov s20;
	s20 =	sadd.s32 $0x10, s23;
	[tilespmem:s23+$0x960] =	vst v45;
	s19 =	smul.f32 $5.120000000e+02, s30  }
0x56: {  	v47 =	vmov s22;
	[tilespmem:s20+$0xFFFFF9C0] =	vst v46;
	s30 =	smul.f32 s31, s26;
	s23 =	spop (v2sf)  }
0x57: {  	v48 =	vmov s5;
	[tilespmem:s20+$0xFFFFFCE0] =	vst v47;
	s5 =	smul.f32 $5.120000000e+02, s23;
	s25 =	spop (v2sf)  }
0x58: {  	v50 =	vbroadcast v4, $0x4;
	[tilespmem:s20+$0x0] =	vst v48;
	v49 =	vmov s18;
	s26 =	smul.f32 $5.120000000e+02, s25;
	s31 =	spop (v2sf)  }
0x59: {  	s1 =	sand.u32 $0x3F0, s1;
	[tilespmem:s20+$0x320] =	vst v49;
	s22 =	smul.f32 $5.120000000e+02, s31  }
0x5a: {  	[tilespmem:s1+$0x2280] =	vst v50;
	v51 =	vmov s30;
	s23 =	ssub.f32 s26, s19  }
0x5b: {  	v52 =	vmov s19;
	[tilespmem:s20+$0x960] =	vst v51;
	s19 =	sadd.s32 $0x10, s20;
	s30 =	spop (v2sf);
	s31 =	ssub.f32 s22, s5  }
0x5c: {  	v53 =	vmov s5;
	[tilespmem:s19+$0xFFFFF9C0] =	vst v52;
	s25 =	smul.f32 $5.120000000e+02, s30  }
0x5d: {  	v54 =	vmov s26;
	[tilespmem:s19+$0xFFFFFCE0] =	vst v53;
	s26 =	spop (v2sf);
	s1 =	smul.f32 s31, s23  }
0x5e: {  	v56 =	vbroadcast v3, $0x4;
	[tilespmem:s19+$0x0] =	vst v54;
	v55 =	vmov s22;
	s18 =	smul.f32 $5.120000000e+02, s26;
	s30 =	spop (v2sf)  }
0x5f: {  	s0 =	sand.u32 $0x3F0, s0;
	[tilespmem:s19+$0x320] =	vst v55;
	s20 =	smul.f32 $5.120000000e+02, s30;
	s31 =	spop (v2sf)  }
0x60: {  	[tilespmem:s0+$0x2280] =	vst v56;
	s26 =	sadd.s32 $0x10, s19;
	v58 =	vmov s25;
	s23 =	smul.f32 $5.120000000e+02, s31  }
0x61: {  	v57 =	vmov s1;
	[tilespmem:s26+$0xFFFFF9C0] =	vst v58;
	s25 =	ssub.f32 s20, s25  }
0x62: {  	v59 =	vmov s18;
	[tilespmem:s19+$0x960] =	vst v57;
	s18 =	ssub.f32 s23, s18  }
0x63: {  	[tilespmem:s26+$0xFFFFFCE0] =	vst v59;
	v60 =	vmov s20  }
0x64: {  	v62 =	vbroadcast v5, $0x4;
	[tilespmem:s26+$0x0] =	vst v60;
	v61 =	vmov s23;
	s30 =	smul.f32 s18, s25  }
0x65: {  	s31 =	sand.u32 $0x3F0, s9;
	[tilespmem:s26+$0x320] =	vst v61  }
0x66: {  	[tilespmem:s31+$0x2280] =	vst v62;
	v63 =	vmov s30  }
0x67: {  	s29 =	simm.s32 $0x0;
	[tilespmem:s26+$0x960] =	vst v63  }
.LBB2_4:
0x68: {  	s30 =	sshll.u32 s29, $0x5;
	s0 =	sshll.u32 s29, $0x8  }
0x69: {  	s1 =	sand.u32 $0x60, s30;
	s0 =	sand.u32 $0x1C00, s0  }
0x6a: {  	s25 =	sor.u32 s1, s0  }
0x6b: {  	v0 =	vld [tilespmem:s25+$0x0]  }
0x6c: {  	v1 =	vld [tilespmem:s25+$0x80]  }
0x6d: {  	v2 =	vld [tilespmem:s25+$0x100]  }
0x6e: {  	s31 =	sor.u32 $0x10, s1;
	s1 =	simm.s32 $0x1F60;
	v3 =	vld [tilespmem:s25+$0x180]  }
0x6f: {  	v17 =	vld [tilespmem:s1+$0xFFFFF730]  }
0x70: {  	v19 =	vld [tilespmem:s1+$0xFFFFFA50]  }
0x71: {  	v21 =	vld [tilespmem:s1+$0x90]  }
0x72: {  	v22 =	vld [tilespmem:s1+$0xFFFFF710]  }
0x73: {  	v23 =	vld [tilespmem:s1+$0xFFFFFA30]  }
0x74: {  	v24 =	vld [tilespmem:s1+$0x70]  }
0x75: {  	v25 =	vld [tilespmem:s1+$0xFFFFF700]  }
0x76: {  	v26 =	vld [tilespmem:s1+$0xFFFFFA20]  }
0x77: {  	v30 =	vld [tilespmem:s1+$0x60]  }
0x78: {  	s9 =	sor.u32 s31, s0;
	v31 =	vld [tilespmem:s1+$0xFFFFF6F0]  }
0x79: {  	v4 =	vld [tilespmem:s9+$0x0]  }
0x7a: {  	v10 =	vld [tilespmem:s9+$0x80]  }
0x7b: {  	v11 =	vld [tilespmem:s9+$0x100]  }
0x7c: {  	v12 =	vld [tilespmem:s9+$0x180]  }
0x7d: {  	v34 =	vld [tilespmem:s1+$0xFFFFFA10]  }
0x7e: {  	v37 =	vld [tilespmem:s1+$0xFFFFFD30];
	v5 =	vmul.f32 $5.120000000e+02, v0;
	v6 =	vmul.f32 $5.120000000e+02, v1  }
0x7f: {  	v38 =	vld [tilespmem:s1+$0x50];
	v7 =	vmul.f32 $5.120000000e+02, v2;
	v8 =	vmul.f32 $5.120000000e+02, v3  }
0x80: {  	v42 =	vld [tilespmem:s1+$0xFFFFF6E0];
	v9 =	vmul.f32 $5.120000000e+02, v4;
	v10 =	vmul.f32 $5.120000000e+02, v10  }
0x81: {  	v44 =	vld [tilespmem:s1+$0xFFFFFD20];
	v11 =	vmul.f32 $5.120000000e+02, v11;
	v12 =	vmul.f32 $5.120000000e+02, v12  }
0x82: {  	v46 =	vld [tilespmem:s1+$0x40];
	v4 =	vsub.f32 v7, v5;
	v13 =	vsub.f32 v8, v6;
	v27 =	vmax.f32 v5, v17  }
0x83: {  	v28 =	vmin.f32 v8, v21;
	v29 =	vmax.f32 v6, v19;
	v40 =	vmax.f32 v5, v22  }
0x84: {  	v41 =	vmin.f32 v8, v24;
	v43 =	vmax.f32 v6, v23;
	v47 =	vmax.f32 v5, v25  }
0x85: {  	v48 =	vmin.f32 v8, v30;
	v49 =	vmax.f32 v6, v26;
	v51 =	vmin.f32 v7, v37  }
0x86: {  	v52 =	vmax.f32 v5, v31;
	v53 =	vmin.f32 v8, v38;
	v54 =	vmax.f32 v6, v34  }
0x87: {  	v15 =	vld [tilespmem:s1+$0x6D0];
	v57 =	vmin.f32 v7, v44;
	v58 =	vmax.f32 v5, v42;
	v59 =	vmin.f32 v8, v46  }
0x88: {  	v16 =	vld [tilespmem:s1+$0x6C0];
	v14 =	vsub.f32 v11, v9;
	v18 =	vsub.f32 v12, v10;
	v22 =	vmax.f32 v9, v22  }
0x89: {  	v20 =	vld [tilespmem:s1+$0xFFFFFD70];
	v24 =	vmin.f32 v12, v24;
	v23 =	vmax.f32 v10, v23;
	v25 =	vmax.f32 v9, v25  }
0x8a: {  	v2 =	vld [tilespmem:s1+$0xFFFFFD60];
	v30 =	vmin.f32 v12, v30;
	v26 =	vmax.f32 v10, v26;
	v37 =	vmin.f32 v11, v37  }
0x8b: {  	v0 =	vld [tilespmem:s1+$0xFFFFF720];
	v31 =	vmax.f32 v9, v31;
	v38 =	vmin.f32 v12, v38;
	v13 =	vmul.f32 v13, v4  }
0x8c: {  	v34 =	vmax.f32 v10, v34;
	v61 =	vsub.f32 v28, v29;
	v4 =	vld [tilespmem:s1+$0xFFFFFD50];
	v14 =	vmul.f32 v18, v14  }
0x8d: {  	v50 =	vld [tilespmem:s1+$0xFFFFFA00];
	v29 =	vmin.f32 v11, v44;
	v42 =	vmax.f32 v9, v42;
	v18 =	vadd.f32 v15, v13  }
0x8e: {  	v3 =	vld [tilespmem:s1+$0x80];
	v44 =	vmin.f32 v12, v46;
	v41 =	vsub.f32 v41, v43;
	v15 =	vadd.f32 v15, v14  }
0x8f: {  	v1 =	vld [tilespmem:s1+$0xFFFFFA40];
	v57 =	vsub.f32 v57, v58;
	v58 =	vsub.f32 v38, v34;
	v32 =	vmin.f32 v7, v2;
	[tilespmem:$0x1FEB0] =	vst v18  }
0x90: {  	v33 =	vmax.f32 v5, v0;
	v18 =	vadd.f32 v16, v13;
	[tilespmem:$0x1FF70] =	vst v15;
	v15 =	vadd.f32 v16, v14;
	v16 =	vld [tilespmem:s1+$0xFFFFFD40]  }
0x91: {  	v60 =	vld [tilespmem:s1+$0x30];
	v2 =	vmin.f32 v11, v2;
	v0 =	vmax.f32 v9, v0;
	v39 =	vmin.f32 v7, v4  }
0x92: {  	v28 =	vld [tilespmem:s1+$0xFFFFF9F0];
	v46 =	vmax.f32 v10, v50;
	v0 =	vsub.f32 v2, v0;
	v2 =	vsub.f32 v39, v40  }
0x93: {  	v63 =	vsub.f32 v29, v42;
	v35 =	vmin.f32 v8, v3;
	v4 =	vmin.f32 v11, v4;
	[tilespmem:$0x1FDC0] =	vst v15  }
0x94: {  	v56 =	vld [tilespmem:s1+$0xFFFFF6D0];
	v36 =	vmax.f32 v6, v1;
	v15 =	vmin.f32 v7, v20;
	[tilespmem:$0x1FEA0] =	vst v2;
	v2 =	vsub.f32 v4, v22  }
0x95: {  	v55 =	vld [tilespmem:s1+$0xFFFFFD10];
	v3 =	vmin.f32 v12, v3;
	v15 =	vsub.f32 v15, v27;
	v45 =	vmin.f32 v7, v16  }
0x96: {  	v1 =	vmax.f32 v10, v1;
	v35 =	vsub.f32 v35, v36;
	v36 =	vld [tilespmem:s1+$0xFFFFF6C0];
	[tilespmem:$0x1FF10] =	vst v2;
	v2 =	vsub.f32 v45, v47  }
0x97: {  	v1 =	vsub.f32 v3, v1;
	v62 =	vmax.f32 v6, v28;
	v40 =	vmin.f32 v8, v60;
	v22 =	vld [tilespmem:s1+$0xFFFFFCF0];
	[tilespmem:$0x1FE80] =	vst v15  }
0x98: {  	v27 =	vmax.f32 v6, v50;
	v15 =	vsub.f32 v32, v33;
	v32 =	vld [tilespmem:s1+$0xFFFFFD00];
	[tilespmem:$0x1FF00] =	vst v2;
	v2 =	vsub.f32 v24, v23  }
0x99: {  	v43 =	vld [tilespmem:s1+$0xFFFFF9E0];
	v50 =	vmax.f32 v5, v56;
	v56 =	vmax.f32 v9, v56;
	v59 =	vsub.f32 v59, v27  }
0x9a: {  	v39 =	vld [tilespmem:s1+$0x20];
	v33 =	vmin.f32 v7, v55;
	v55 =	vmin.f32 v11, v55;
	[tilespmem:$0x1FF20] =	vst v2;
	v2 =	vsub.f32 v48, v49  }
0x9b: {  	v16 =	vmin.f32 v11, v16;
	v45 =	vsub.f32 v40, v62;
	v55 =	vsub.f32 v55, v56;
	v23 =	vld [tilespmem:s1+$0xFFFFF6B0]  }
0x9c: {  	v38 =	vld [tilespmem:s1+$0xFFFFF6A0];
	v34 =	vmin.f32 v7, v22;
	v22 =	vmin.f32 v11, v22;
	[tilespmem:$0x1FF30] =	vst v2;
	v2 =	vsub.f32 v16, v25  }
0x9d: {  	v42 =	vld [tilespmem:s1+$0xFFFFF9C0];
	v47 =	vmin.f32 v7, v32;
	v49 =	vmax.f32 v5, v36;
	v48 =	vsub.f32 v33, v50  }
0x9e: {  	v36 =	vmax.f32 v9, v36;
	v56 =	vsub.f32 v47, v49;
	[tilespmem:$0x1FF40] =	vst v2;
	v2 =	vsub.f32 v51, v52;
	v52 =	vld [tilespmem:s1+$0x10]  }
0x9f: {  	v33 =	vld [tilespmem:s1+$0xFFFFFCE0];
	v25 =	vmin.f32 v8, v39;
	v16 =	vsub.f32 v37, v31;
	v31 =	vmax.f32 v10, v43  }
0xa0: {  	v40 =	vld [tilespmem:s1+$0x0];
	v27 =	vmax.f32 v5, v23;
	v23 =	vmax.f32 v9, v23;
	[tilespmem:$0x1FF60] =	vst v2;
	v2 =	vsub.f32 v30, v26  }
0xa1: {  	s20 =	simm.s32 $0x60;
	v3 =	vld [tilespmem:s25+$0x280];
	v50 =	vsub.f32 v34, v27;
	v27 =	vmax.f32 v5, v38;
	v51 =	vsub.f32 v22, v23  }
0xa2: {  	s5 =	simm.s32 $0x80;
	s22 =	sand.u32 $0x7E0, s20;
	v4 =	vld [tilespmem:s9+$0x280];
	v26 =	vmax.f32 v6, v43;
	v30 =	vmin.f32 v11, v32;
	[tilespmem:$0x1FF50] =	vst v2;
	v2 =	vsub.f32 v53, v54  }
0xa3: {  	s5 =	sand.u32 $0x7E0, s5;
	s0 =	simm.s32 $0x90;
	v49 =	vld [tilespmem:s22+$0x2280];
	v54 =	vsub.f32 v44, v46;
	v46 =	vsub.f32 v30, v36;
	v29 =	vmin.f32 v8, v52  }
0xa4: {  	s23 =	simm.s32 $0x70;
	s18 =	sand.u32 $0x7F0, s0;
	v30 =	vld [tilespmem:s5+$0x2280];
	v43 =	vmin.f32 v12, v52;
	v52 =	vsub.f32 v25, v26;
	v25 =	vmin.f32 v7, v33  }
0xa5: {  	v23 =	vmin.f32 v8, v40;
	s5 =	sand.u32 $0x7F0, s23;
	v26 =	vld [tilespmem:s18+$0x2280];
	v22 =	vsub.f32 v25, v27;
	v27 =	vmax.f32 v6, v42  }
0xa6: {  	[tilespmem:$0x1FF80] =	vst v18;
	v18 =	vsub.f32 v23, v27;
	v23 =	vld [tilespmem:s5+$0x2280];
	_ =	sdelay $0x1  }
0xa7: {  	v17 =	vmax.f32 v9, v17;
	v20 =	vmin.f32 v11, v20  }
0xa8: {  	[tilespmem:$0x1FDE0] =	vst v5;
	v17 =	vsub.f32 v20, v17;
	v5 =	vimm.s32 $0x0;
	v32 =	vld [tilespmem:s1+$0xFFFFF9D0]  }
0xa9: {  	vm7 =	veq.f32 v4, v49;
	vm4 =	veq.f32 v4, v30;
	vm0 =	veq.f32 v3, v26  }
0xaa: {  	[tilespmem:$0x1FE70] =	vst v4;
	v5 =	vsel vm0, $0xFFFFFFFF, v5;
	vm0 =	veq.f32 v4, v26;
	vm8 =	veq.f32 v4, v23;
	v4 =	vld [tilespmem:$0x1FE80]  }
0xab: {  	v21 =	vmin.f32 v12, v21;
	v19 =	vmax.f32 v10, v19;
	v28 =	vmax.f32 v10, v28  }
0xac: {  	v60 =	vmin.f32 v12, v60;
	v17 =	vmax.f32 v17, $0.0e+00;
	v62 =	vld [tilespmem:s1+$0x6B0];
	[tilespmem:$0x1FE90] =	vst v15;
	v15 =	vsub.f32 v21, v19  }
0xad: {  	v47 =	vsub.f32 v60, v28;
	v60 =	vld [tilespmem:s1+$0x690];
	v37 =	vmax.f32 v6, v32;
	v28 =	vmax.f32 v10, v32  }
0xae: {  	v15 =	vmax.f32 v15, $0.0e+00;
	v25 =	vld [tilespmem:s1+$0x6A0];
	v24 =	vsub.f32 v29, v37;
	v20 =	vsub.f32 v43, v28  }
0xaf: {  	v28 =	vmin.f32 v11, v33;
	v29 =	vmax.f32 v9, v38;
	v27 =	vmax.f32 v4, $0.0e+00;
	v4 =	vld [tilespmem:$0x1FE90]  }
0xb0: {  	[tilespmem:$0x1FE00] =	vst v6;
	v6 =	vmul.f32 v15, v17;
	v15 =	vld [tilespmem:s1+$0x650];
	v19 =	vsub.f32 v28, v29;
	v29 =	vmax.f32 v10, v42  }
0xb1: {  	vm5 =	veq.f32 v3, v30;
	v30 =	vmax.f32 v61, $0.0e+00;
	v61 =	vld [tilespmem:s1+$0x660];
	v26 =	vmin.f32 v12, v40  }
0xb2: {  	s26 =	simm.s32 $0x50;
	v21 =	vsub.f32 v26, v29;
	v26 =	vld [tilespmem:s1+$0x680]  }
0xb3: {  	[tilespmem:$0x1FE60] =	vst v10;
	s5 =	sand.u32 $0x7F0, s26;
	v10 =	vadd.f32 v25, v14;
	v29 =	vadd.f32 v25, v13;
	v25 =	vld [tilespmem:s1+$0x670]  }
0xb4: {  	v30 =	vmul.f32 v30, v27;
	v27 =	vmax.f32 v35, $0.0e+00;
	v17 =	vmax.f32 v4, $0.0e+00;
	v4 =	vld [tilespmem:s5+$0x2280]  }
0xb5: {  	v36 =	vmul.f32 v27, v17;
	v17 =	vld [tilespmem:s1+$0x640];
	_ =	sdelay $0x1  }
0xb6: {  	[tilespmem:$0x1FDF0] =	vst v8;
	v8 =	vadd.f32 v62, v13;
	vm3 =	veq.f32 v3, v23;
	v23 =	vadd.f32 v60, v13  }
0xb7: {  	v43 =	vadd.f32 v15, v13;
	v33 =	vadd.f32 v26, v13  }
0xb8: {  	v34 =	vadd.f32 v25, v13;
	v27 =	vadd.f32 v25, v14  }
0xb9: {  	[tilespmem:$0x1FED0] =	vst v13;
	v25 =	vadd.f32 v61, v13;
	v35 =	vadd.f32 v17, v13;
	v13 =	vmov v4  }
0xba: {  	[tilespmem:$0x1FEF0] =	vst v3;
	vm6 =	veq.f32 v3, v49;
	vm9 =	veq.f32 v3, v13;
	v3 =	vld [tilespmem:$0x1FF50]  }
0xbb: {  	[tilespmem:$0x1FE30] =	vst v5;
	v5 =	vimm.s32 $0x0  }
0xbc: {  	v5 =	vsel vm0, $0xFFFFFFFF, v5  }
0xbd: {  	[tilespmem:$0x1FE40] =	vst v5;
	v5 =	vld [tilespmem:$0x1FEB0]  }
0xbe: {  	v0 =	vmax.f32 v0, $0.0e+00  }
0xbf: {  	v1 =	vmax.f32 v1, $0.0e+00;
	v38 =	vadd.f32 v15, v14;
	v15 =	vmax.f32 v3, $0.0e+00;
	v3 =	vld [tilespmem:$0x1FF60]  }
0xc0: {  	[tilespmem:$0x1FE10] =	vst v11;
	v11 =	vmul.f32 v1, v0;
	v0 =	vld [tilespmem:$0x1FEA0];
	_ =	sdelay $0x1  }
0xc1: {  	[tilespmem:$0x1FDD0] =	vst v7;
	v39 =	vmin.f32 v12, v39;
	v7 =	vadd.f32 v62, v14;
	v62 =	vsub.f32 v5, v30  }
0xc2: {  	v53 =	vsub.f32 v39, v31;
	v32 =	vadd.f32 v60, v14;
	v1 =	vmax.f32 v41, $0.0e+00  }
0xc3: {  	v60 =	vmax.f32 v16, $0.0e+00;
	(erf) = vrcp.f32 v62;
	v62 =	vmax.f32 v3, $0.0e+00;
	v3 =	vld [tilespmem:$0x1FF70]  }
0xc4: {  	v16 =	vmax.f32 v58, $0.0e+00;
	v58 =	vmax.f32 v48, $0.0e+00;
	v0 =	vmax.f32 v0, $0.0e+00  }
0xc5: {  	v48 =	vmax.f32 v63, $0.0e+00;
	v41 =	vmul.f32 v1, v0;
	v0 =	vadd.f32 v61, v14  }
0xc6: {  	v63 =	vmax.f32 v45, $0.0e+00;
	v45 =	vmax.f32 v55, $0.0e+00;
	v55 =	vmax.f32 v56, $0.0e+00  }
0xc7: {  	v56 =	vmax.f32 v52, $0.0e+00;
	v52 =	vmax.f32 v50, $0.0e+00;
	v50 =	vmax.f32 v53, $0.0e+00;
	[tilespmem:$0x1FEC0] =	vst v0;
	v0 =	vld [tilespmem:$0x1FF00]  }
0xc8: {  	v53 =	vmax.f32 v20, $0.0e+00;
	v20 =	vmax.f32 v22, $0.0e+00;
	v22 =	vsub.f32 v3, v6;
	v3 =	vld [tilespmem:$0x1FF80];
	_ =	sdelay $0x3  }
0xc9: {  	v61 =	vmax.f32 v0, $0.0e+00;
	v0 =	vld [tilespmem:$0x1FF10]  }
0xca: {  	v49 =	vmax.f32 v54, $0.0e+00;
	v54 =	vmax.f32 v24, $0.0e+00;
	v24 =	vsub.f32 v3, v36;
	v3 =	vld [tilespmem:s25+$0x200];
	_ =	sdelay $0x3  }
0xcb: {  	v42 =	vmax.f32 v0, $0.0e+00;
	v0 =	vld [tilespmem:$0x1FF20]  }
0xcc: {  	[tilespmem:$0x1FF90] =	vst v3;
	v3 =	vimm.f32 $-Inf  }
0xcd: {  	[tilespmem:$0x1FFA0] =	vst v3;
	v3 =	vld [tilespmem:s9+$0x200];
	_ =	sdelay $0x1  }
0xce: {  	[tilespmem:$0x1FE20] =	vst v9;
	v1 =	vld [tilespmem:$0x1FF40]  }
0xcf: {  	p1 =	por $0x1, $0x1;
	[tilespmem:$0x1FE50] =	vst v12;
	v4 =	vadd.f32 v17, v14;
	v17 =	vmax.f32 v0, $0.0e+00;
	v0 =	vld [tilespmem:$0x1FF30]  }
.Ltmp3:
0xd0: {  	v57 =	vmax.f32 v57, $0.0e+00;
	[tilespmem:$0x1FEE0] =	vst v14;
	v59 =	vmax.f32 v59, $0.0e+00;
	v47 =	vmax.f32 v47, $0.0e+00;
	(pc) =	sbr.rel @!p1 .LBB2_6-.Ltmp3, $4  }
0xd1: {  	v51 =	vmax.f32 v51, $0.0e+00;
	v2 =	vmax.f32 v2, $0.0e+00;
	[tilespmem:$0x1FFB0] =	vst v3;
	v3 =	vimm.s32 $0x0  }
0xd2: {  	v46 =	vmax.f32 v46, $0.0e+00;
	v18 =	vmax.f32 v18, $0.0e+00;
	[tilespmem:$0x1FFC0] =	vst v3;
	v3 =	vimm.f32 $-Inf  }
0xd3: {  	v19 =	vmax.f32 v19, $0.0e+00;
	v21 =	vmax.f32 v21, $0.0e+00;
	[tilespmem:$0x1FFD0] =	vst v3;
	v3 =	vimm.s32 $0x0  }
0xd4: {  	s26 =	simm.s32 $0xA;
	v26 =	vadd.f32 v26, v14;
	v1 =	vmax.f32 v1, $0.0e+00;
	v0 =	vmax.f32 v0, $0.0e+00;
	s25 =	simm.s32 $0x0;
	[tilespmem:$0x1FFE0] =	vst v3  }
.LBB2_5:
0xd5: {  	v3 =	vimm.s32 $0x0  }
0xd6: {  	v3 =	vsel vm3, $0xFFFFFFFF, v3  }
0xd7: {  	[tilespmem:$0x1FAF0] =	vst v3;
	v3 =	vimm.s32 $0x0  }
0xd8: {  	v3 =	vsel vm5, $0xFFFFFFFF, v3  }
0xd9: {  	[tilespmem:$0x1FB00] =	vst v3;
	v3 =	vimm.s32 $0x0  }
0xda: {  	v3 =	vsel vm4, $0xFFFFFFFF, v3  }
0xdb: {  	[tilespmem:$0x1FB10] =	vst v3;
	v3 =	vld [tilespmem:$0x1FDC0];
	_ =	sdelay $0x4  }
0xdc: {  	v42 =	vmul.f32 v17, v42;
	(erf) = vrcp.f32 v22;
	v17 =	vsub.f32 v3, v11  }
0xdd: {  	v0 =	vmul.f32 v0, v61;
	(erf) = vrcp.f32 v24;
	v22 =	vsub.f32 v8, v41  }
0xde: {  	v28 =	vmul.f32 v15, v1;
	v1 =	vsub.f32 v7, v42;
	(erf) = vrcp.f32 v17  }
0xdf: {  	v2 =	vmul.f32 v2, v62;
	v15 =	vsub.f32 v29, v0;
	(erf) = vrcp.f32 v22  }
0xe0: {  	v31 =	vmul.f32 v16, v60;
	v16 =	vsub.f32 v10, v28;
	(erf) = vrcp.f32 v1  }
0xe1: {  	v17 =	vsub.f32 v23, v2;
	v1 =	vmul.f32 v59, v57;
	(erf) = vrcp.f32 v15  }
0xe2: {  	v22 =	vsub.f32 v32, v31;
	v15 =	vmul.f32 v63, v58;
	(erf) = vrcp.f32 v16  }
0xe3: {  	v16 =	vmul.f32 v18, v20;
	v18 =	vsub.f32 v33, v1;
	(erf) = vrcp.f32 v17  }
0xe4: {  	v19 =	vmul.f32 v21, v19;
	v3 =	vsub.f32 v34, v15;
	(erf) = vrcp.f32 v22  }
0xe5: {  	v60 =	vmul.f32 v56, v55;
	v14 =	vld [tilespmem:$0x1FE70];
	v21 =	vpop (erf);
	v22 =	vsub.f32 v35, v16;
	(erf) = vrcp.f32 v18  }
0xe6: {  	v61 =	vmul.f32 v54, v52;
	v4 =	vsub.f32 v4, v19;
	v17 =	vpop (erf);
	(erf) = vrcp.f32 v3  }
0xe7: {  	v24 =	vsub.f32 v25, v60;
	v20 =	vpop (erf);
	(erf) = vrcp.f32 v22  }
0xe8: {  	v3 =	vsub.f32 v43, v61;
	v5 =	vpop (erf);
	(erf) = vrcp.f32 v4  }
0xe9: {  	v18 =	vpop (erf);
	(erf) = vrcp.f32 v24  }
0xea: {  	vm0 =	veq.f32 v14, v13;
	v29 =	vpop (erf);
	(erf) = vrcp.f32 v3;
	v3 =	vimm.s32 $0x0  }
0xeb: {  	v3 =	vsel vm0, $0xFFFFFFFF, v3  }
0xec: {  	v62 =	vmul.f32 v53, v51;
	[tilespmem:$0x1FAE0] =	vst v3;
	v3 =	vld [tilespmem:$0x1FEC0]  }
0xed: {  	v40 =	vmul.f32 v49, v48;
	v22 =	vpop (erf)  }
0xee: {  	v44 =	vmul.f32 v47, v45;
	v48 =	vmul.f32 v50, v46;
	s19 =	sadd.s32 $0xFFFFFF70, s0;
	v4 =	vsub.f32 v38, v62;
	v50 =	vpop (erf)  }
0xef: {  	v12 =	vld [tilespmem:$0x1FEF0];
	s20 =	sand.u32 $0x3E0, s19;
	v24 =	vsub.f32 v26, v40;
	v51 =	vpop (erf)  }
0xf0: {  	v52 =	vld [tilespmem:s20+$0x2280];
	v25 =	vsub.f32 v27, v44;
	(erf) = vrcp.f32 v4;
	v53 =	vpop (erf)  }
0xf1: {  	(erf) = vrcp.f32 v24;
	v54 =	vpop (erf);
	v26 =	vsub.f32 v3, v48;
	v3 =	vld [tilespmem:$0x1FFA0]  }
0xf2: {  	s5 =	sadd.s32 $0xFFFFFFB0, s0;
	(erf) = vrcp.f32 v25;
	v25 =	vmul.f32 v20, v36;
	v20 =	vpop (erf)  }
0xf3: {  	s9 =	sadd.s32 $0xFFFFFFA0, s0;
	s5 =	sand.u32 $0x7E0, s5;
	(erf) = vrcp.f32 v26;
	v26 =	vmul.f32 v18, v41;
	v18 =	vpop (erf)  }
0xf4: {  	s9 =	sand.u32 $0x7F0, s9;
	v37 =	vld [tilespmem:s5+$0x2280];
	v16 =	vmul.f32 v18, v16  }
0xf5: {  	s18 =	sadd.s32 $0xFFFFFF90, s0;
	s23 =	sadd.s32 $0xFFFFFF80, s0;
	v39 =	vld [tilespmem:s9+$0x2280]  }
0xf6: {  	s22 =	sand.u32 $0x7E0, s18;
	s18 =	sand.u32 $0x3F0, s23;
	vm2 =	veq.f32 v12, v52;
	v4 =	vld [tilespmem:$0x1FFD0];
	vm4 =	vgt.f32 v16, v3  }
0xf7: {  	v49 =	vld [tilespmem:s18+$0x2280];
	vm2 =	vmand vm2, vm4  }
0xf8: {  	v24 =	vmul.f32 v21, v30;
	v21 =	vpop (erf);
	v16 =	vsel vm2, v16, v3;
	v3 =	vld [tilespmem:$0x1FFC0]  }
0xf9: {  	v63 =	vld [tilespmem:s22+$0x2280];
	v18 =	vmul.f32 v21, v19;
	_ =	sdelay $0x1  }
0xfa: {  	vm3 =	veq.f32 v14, v52;
	vm5 =	vgt.f32 v18, v4  }
0xfb: {  	vm10 =	veq.f32 v12, v37;
	vm12 =	veq.f32 v12, v39;
	vm3 =	vmand vm3, vm5  }
0xfc: {  	vm11 =	veq.f32 v14, v37;
	vm13 =	veq.f32 v14, v39;
	v19 =	vpop (erf);
	v30 =	vsel vm3, s25, v3;
	v3 =	vld [tilespmem:$0x1FFE0]  }
0xfd: {  	vm1 =	veq.f32 v14, v49;
	vm14 =	veq.f32 v12, v63;
	v15 =	vmul.f32 v20, v15;
	v20 =	vpop (erf)  }
0xfe: {  	vm15 =	veq.f32 v14, v63;
	v0 =	vmul.f32 v22, v0;
	v2 =	vmul.f32 v51, v2;
	v21 =	vpop (erf)  }
0xff: {  	vm0 =	veq.f32 v12, v49;
	v20 =	vmul.f32 v20, v61;
	v21 =	vmul.f32 v21, v62;
	v22 =	vpop (erf)  }
0x100: {  	v31 =	vmul.f32 v53, v31;
	v19 =	vmul.f32 v19, v60;
	v18 =	vsel vm3, v18, v4;
	v55 =	vpop (erf)  }
0x101: {  	v57 =	vpop (erf);
	vm3 =	vgt.f32 v21, v18;
	v56 =	vsel vm2, s25, v3;
	vm2 =	vgt.f32 v20, v16  }
0x102: {  	s22 =	sadd.s32 $0x1, s25;
	v35 =	vmul.f32 v57, v48;
	vm1 =	vmand vm1, vm3;
	vm0 =	vmand vm0, vm2  }
0x103: {  	v18 =	vsel vm1, v21, v18;
	v16 =	vsel vm0, v20, v16;
	v20 =	vsel vm1, s22, v30  }
0x104: {  	v3 =	vld [tilespmem:$0x1FAE0];
	v21 =	vsel vm0, s22, v56;
	vm1 =	vgt.f32 v35, v18;
	vm0 =	vgt.f32 v19, v16  }
0x105: {  	v1 =	vmul.f32 v54, v1;
	vm1 =	vmand vm15, vm1;
	vm0 =	vmand vm14, vm0  }
0x106: {  	s1 =	sadd.s32 $0xA0, s1;
	s23 =	sadd.s32 $0x2, s25;
	v8 =	vld [tilespmem:$0x1FED0];
	v30 =	vmul.f32 v55, v44;
	v18 =	vsel vm1, v35, v18;
	v16 =	vsel vm0, v19, v16  }
0x107: {  	v19 =	vsel vm1, s23, v20;
	v20 =	vsel vm0, s23, v21;
	v21 =	vld [tilespmem:s1+$0x6D0];
	vm0 =	vgt.f32 v15, v16  }
0x108: {  	v22 =	vmul.f32 v22, v40;
	vm1 =	vgt.f32 v30, v18;
	vm0 =	vmand vm12, vm0  }
0x109: {  	s9 =	sadd.s32 $0x3, s25;
	vm2 =	vnez.u8 v3;
	vm1 =	vmand vm13, vm1;
	v15 =	vsel vm0, v15, v16  }
0x10a: {  	v3 =	vld [tilespmem:$0x1FAF0];
	v16 =	vsel vm1, v30, v18;
	v20 =	vsel vm0, s9, v20;
	vm0 =	vgt.f32 v1, v15  }
0x10b: {  	v18 =	vsel vm1, s9, v19;
	vm1 =	vgt.f32 v22, v16;
	vm0 =	vmand vm10, vm0  }
0x10c: {  	s18 =	sadd.s32 $0x4, s25;
	vm1 =	vmand vm11, vm1;
	v4 =	vadd.f32 v21, v8;
	v1 =	vsel vm0, v1, v15  }
0x10d: {  	v15 =	vsel vm1, v22, v16;
	v20 =	vsel vm0, s18, v20;
	vm0 =	vgt.f32 v2, v1  }
0x10e: {  	v16 =	vsel vm1, s18, v18;
	vm1 =	vgt.f32 v31, v15;
	vm0 =	vmand vm9, vm0  }
0x10f: {  	s19 =	sadd.s32 $0x5, s25;
	vm1 =	vmand vm2, vm1;
	vm2 =	vnez.u8 v3;
	v3 =	vld [tilespmem:$0x1FB00];
	v1 =	vsel vm0, v2, v1  }
0x110: {  	v22 =	vmul.f32 v50, v28;
	v20 =	vsel vm0, s19, v20;
	vm0 =	vgt.f32 v0, v1  }
0x111: {  	v28 =	vmul.f32 v29, v42;
	v2 =	vsel vm1, v31, v15;
	vm0 =	vmand vm6, vm0  }
0x112: {  	s20 =	sadd.s32 $0x6, s25;
	v15 =	vsel vm1, s19, v16;
	vm1 =	vgt.f32 v22, v2;
	v0 =	vsel vm0, v0, v1  }
0x113: {  	vm1 =	vmand vm7, vm1;
	v20 =	vsel vm0, s20, v20;
	vm0 =	vgt.f32 v26, v0  }
0x114: {  	v1 =	vsel vm1, v22, v2;
	vm0 =	vmand vm2, vm0;
	vm2 =	vnez.u8 v3;
	v3 =	vld [tilespmem:$0x1FB10]  }
0x115: {  	[tilespmem:$0x1FD60] =	vst v4;
	v4 =	vld [tilespmem:$0x1FE30];
	v2 =	vsel vm1, s20, v15;
	vm1 =	vgt.f32 v28, v1  }
0x116: {  	vm1 =	vmand vm8, vm1  }
0x117: {  	s22 =	sadd.s32 $0x7, s25;
	v22 =	vmul.f32 v5, v11;
	v0 =	vsel vm0, v26, v0;
	v1 =	vsel vm1, v28, v1  }
0x118: {  	v2 =	vsel vm1, s22, v2;
	v20 =	vsel vm0, s22, v20;
	vm0 =	vgt.f32 v25, v0  }
0x119: {  	vm1 =	vgt.f32 v22, v1;
	vm0 =	vmand vm2, vm0;
	vm2 =	vnez.u8 v3  }
0x11a: {  	vm1 =	vmand vm2, vm1;
	vm2 =	vnez.u8 v4;
	v4 =	vld [tilespmem:$0x1FE40];
	_ =	sdelay $0x1  }
0x11b: {  	s23 =	sadd.s32 $0x8, s25  }
0x11c: {  	v17 =	vmul.f32 v17, v6;
	v0 =	vsel vm0, v25, v0;
	v3 =	vsel vm0, s23, v20  }
0x11d: {  	v58 =	vld [tilespmem:s1+$0x6C0];
	vm0 =	vgt.f32 v24, v0;
	v1 =	vsel vm1, v22, v1;
	v2 =	vsel vm1, s23, v2  }
0x11e: {  	vm0 =	vmand vm2, vm0;
	vm1 =	vgt.f32 v17, v1;
	vm2 =	vnez.u8 v4  }
0x11f: {  	v20 =	vld [tilespmem:$0x1FEE0];
	v0 =	vsel vm0, v24, v0;
	vm1 =	vmand vm2, vm1  }
0x120: {  	s9 =	sadd.s32 $0x9, s25;
	[tilespmem:$0x1FFA0] =	vst v0;
	v0 =	vsel vm1, v17, v1  }
0x121: {  	[tilespmem:$0x1FFD0] =	vst v0;
	v0 =	vsel vm1, s9, v2  }
0x122: {  	[tilespmem:$0x1FFC0] =	vst v0;
	v0 =	vadd.f32 v58, v8;
	_ =	sdelay $0x1  }
0x123: {  	[tilespmem:$0x1FDA0] =	vst v0;
	v0 =	vadd.f32 v21, v20;
	_ =	sdelay $0x1  }
0x124: {  	[tilespmem:$0x1FD90] =	vst v0;
	v0 =	vsel vm0, s9, v3  }
0x125: {  	[tilespmem:$0x1FFE0] =	vst v0;
	v0 =	vadd.f32 v58, v20  }
0x126: {  	v59 =	vld [tilespmem:s1+$0xFFFFFD70]  }
0x127: {  	[tilespmem:$0x1FDC0] =	vst v0;
	v0 =	vld [tilespmem:$0x1FDD0];
	_ =	sdelay $0x4  }
0x128: {  	v19 =	vld [tilespmem:s1+$0xFFFFF730];
	v1 =	vmin.f32 v0, v59  }
0x129: {  	[tilespmem:$0x1FB20] =	vst v1;
	v1 =	vld [tilespmem:$0x1FDE0];
	_ =	sdelay $0x3  }
0x12a: {  	v6 =	vld [tilespmem:$0x1FE50]  }
0x12b: {  	v18 =	vld [tilespmem:s1+$0x90];
	v2 =	vmax.f32 v1, v19  }
0x12c: {  	[tilespmem:$0x1FB30] =	vst v2;
	v2 =	vld [tilespmem:$0x1FDF0];
	_ =	sdelay $0x3  }
0x12d: {  	v30 =	vld [tilespmem:s1+$0xFFFFFA50];
	v7 =	vmin.f32 v6, v18  }
0x12e: {  	[tilespmem:$0x1FB80] =	vst v7;
	v7 =	vld [tilespmem:$0x1FE60];
	v3 =	vmin.f32 v2, v18  }
0x12f: {  	[tilespmem:$0x1FB40] =	vst v3;
	v3 =	vld [tilespmem:$0x1FE00]  }
0x130: {  	v60 =	vld [tilespmem:s1+$0x6B0];
	_ =	sdelay $0x2  }
0x131: {  	v11 =	vmax.f32 v7, v30  }
0x132: {  	v31 =	vld [tilespmem:s1+$0xFFFFFD60];
	[tilespmem:$0x1FB90] =	vst v11;
	v4 =	vmax.f32 v3, v30  }
0x133: {  	v11 =	vadd.f32 v60, v8;
	[tilespmem:$0x1FB50] =	vst v4;
	v4 =	vld [tilespmem:$0x1FE10]  }
0x134: {  	v29 =	vld [tilespmem:s1+$0x80]  }
0x135: {  	v10 =	vld [tilespmem:s1+$0x60];
	[tilespmem:$0x1FCC0] =	vst v11;
	v11 =	vadd.f32 v60, v20  }
0x136: {  	v40 =	vld [tilespmem:s1+$0xFFFFFA20]  }
0x137: {  	v16 =	vld [tilespmem:s1+$0xFFFFFA40];
	[tilespmem:$0x1FC30] =	vst v11;
	v11 =	vmin.f32 v0, v31  }
0x138: {  	v61 =	vld [tilespmem:s1+$0xFFFFF720];
	[tilespmem:$0x1FB70] =	vst v11;
	v5 =	vmin.f32 v4, v59  }
0x139: {  	v11 =	vmin.f32 v2, v29;
	[tilespmem:$0x1FB60] =	vst v5;
	v5 =	vld [tilespmem:$0x1FE20]  }
0x13a: {  	v9 =	vld [tilespmem:s1+$0x680];
	v49 =	vmin.f32 v2, v10;
	v10 =	vmin.f32 v6, v10;
	[tilespmem:$0x1FBA0] =	vst v11  }
0x13b: {  	v15 =	vld [tilespmem:s1+$0x6A0];
	[tilespmem:$0x1FC10] =	vst v10;
	v10 =	vmax.f32 v7, v40  }
0x13c: {  	[tilespmem:$0x1FC20] =	vst v10;
	v11 =	vmax.f32 v3, v16  }
0x13d: {  	[tilespmem:$0x1FBB0] =	vst v11;
	v11 =	vmin.f32 v4, v31  }
0x13e: {  	v63 =	vld [tilespmem:s1+$0x70];
	[tilespmem:$0x1FBC0] =	vst v11;
	v11 =	vmax.f32 v5, v61  }
0x13f: {  	v50 =	vld [tilespmem:s1+$0x670];
	v10 =	vadd.f32 v9, v8;
	[tilespmem:$0x1FBD0] =	vst v11;
	v11 =	vmin.f32 v6, v29  }
0x140: {  	v26 =	vld [tilespmem:s1+$0xFFFFFD50];
	[tilespmem:$0x1FBE0] =	vst v11;
	v11 =	vadd.f32 v15, v8  }
0x141: {  	v39 =	vld [tilespmem:s1+$0x690];
	v9 =	vadd.f32 v9, v20;
	[tilespmem:$0x1FCD0] =	vst v10  }
0x142: {  	[tilespmem:$0x1FD10] =	vst v11;
	v11 =	vadd.f32 v15, v20  }
0x143: {  	[tilespmem:$0x1FCF0] =	vst v9  }
0x144: {  	[tilespmem:$0x1FD70] =	vst v11;
	v11 =	vmin.f32 v2, v63  }
0x145: {  	v38 =	vld [tilespmem:s1+$0x660];
	v9 =	vadd.f32 v50, v8;
	[tilespmem:$0x1FBF0] =	vst v11;
	v11 =	vmin.f32 v4, v26  }
0x146: {  	v37 =	vld [tilespmem:s1+$0xFFFFFA30];
	[tilespmem:$0x1FC00] =	vst v11;
	v11 =	vadd.f32 v39, v8  }
0x147: {  	v35 =	vld [tilespmem:s1+$0x650];
	[tilespmem:$0x1FCE0] =	vst v9;
	v9 =	vadd.f32 v50, v20  }
0x148: {  	v10 =	vld [tilespmem:s1+$0x20];
	[tilespmem:$0x1FD00] =	vst v11;
	v11 =	vadd.f32 v39, v20  }
0x149: {  	[tilespmem:$0x1FD20] =	vst v9  }
0x14a: {  	v9 =	vadd.f32 v38, v20;
	[tilespmem:$0x1FD80] =	vst v11;
	v11 =	vld [tilespmem:s1+$0x640];
	_ =	sdelay $0x1  }
0x14b: {  	[tilespmem:$0x1FEC0] =	vst v9;
	v9 =	vadd.f32 v35, v8  }
0x14c: {  	v51 =	vmax.f32 v1, v61;
	v56 =	vmax.f32 v3, v37;
	v21 =	vmin.f32 v2, v10  }
0x14d: {  	v47 =	vld [tilespmem:$0x1FB30];
	[tilespmem:$0x1FD30] =	vst v9;
	v9 =	vadd.f32 v35, v20;
	v61 =	vmax.f32 v7, v37;
	v37 =	vadd.f32 v38, v8  }
0x14e: {  	v8 =	vadd.f32 v11, v8;
	v11 =	vadd.f32 v11, v20;
	v20 =	vmin.f32 v6, v10;
	v10 =	vld [tilespmem:$0x1FB20];
	_ =	sdelay $0x4  }
0x14f: {  	v10 =	vsub.f32 v10, v47  }
0x150: {  	v47 =	vld [tilespmem:$0x1FB50]  }
0x151: {  	[tilespmem:$0x1FC40] =	vst v10;
	v10 =	vld [tilespmem:$0x1FB40];
	_ =	sdelay $0x4  }
0x152: {  	v10 =	vsub.f32 v10, v47;
	_ =	sdelay $0x1  }
0x153: {  	[tilespmem:$0x1FC50] =	vst v10;
	v10 =	vld [tilespmem:$0x1FB60];
	_ =	sdelay $0x3  }
0x154: {  	v52 =	vmax.f32 v5, v19  }
0x155: {  	v10 =	vsub.f32 v10, v52;
	v52 =	vld [tilespmem:$0x1FB70]  }
0x156: {  	v46 =	vld [tilespmem:s1+$0x50]  }
0x157: {  	v27 =	vld [tilespmem:s1+$0xFFFFF6D0]  }
0x158: {  	v13 =	vld [tilespmem:s1+$0xFFFFF9E0]  }
0x159: {  	v43 =	vld [tilespmem:s1+$0xFFFFFA10]  }
0x15a: {  	v62 =	vld [tilespmem:s1+$0xFFFFF710];
	v47 =	vsub.f32 v52, v51  }
0x15b: {  	v52 =	vld [tilespmem:$0x1FB90]  }
0x15c: {  	[tilespmem:$0x1FC80] =	vst v47;
	v47 =	vld [tilespmem:$0x1FB80]  }
0x15d: {  	v57 =	vld [tilespmem:s1+$0xFFFFFD20]  }
0x15e: {  	v44 =	vld [tilespmem:s1+$0xFFFFFD30]  }
0x15f: {  	v17 =	vld [tilespmem:s1+$0xFFFFF6F0]  }
0x160: {  	v51 =	vld [tilespmem:$0x1FBB0]  }
0x161: {  	v47 =	vsub.f32 v47, v52;
	v52 =	vld [tilespmem:$0x1FBA0]  }
0x162: {  	v42 =	vld [tilespmem:s1+$0xFFFFFD40]  }
0x163: {  	v25 =	vld [tilespmem:s1+$0xFFFFF700]  }
0x164: {  	v32 =	vmax.f32 v7, v16;
	v16 =	vld [tilespmem:s1+$0xFFFFFA00]  }
0x165: {  	v60 =	vmin.f32 v6, v63;
	v54 =	vmin.f32 v0, v26;
	v55 =	vmax.f32 v1, v62;
	v31 =	vld [tilespmem:s1+$0xFFFFF9F0]  }
0x166: {  	v33 =	vmax.f32 v1, v17;
	v41 =	vmax.f32 v3, v40;
	v40 =	vld [tilespmem:s1+$0xFFFFFD10];
	v51 =	vsub.f32 v52, v51  }
0x167: {  	v54 =	vsub.f32 v54, v55;
	v45 =	vmin.f32 v2, v46;
	v36 =	vmax.f32 v3, v43;
	v52 =	vld [tilespmem:$0x1FBD0]  }
0x168: {  	v50 =	vmax.f32 v7, v43;
	v36 =	vsub.f32 v45, v36;
	v48 =	vmin.f32 v4, v42;
	[tilespmem:$0x1FC90] =	vst v51;
	v51 =	vld [tilespmem:$0x1FBC0]  }
0x169: {  	v34 =	vmin.f32 v4, v44;
	v59 =	vmin.f32 v0, v57;
	v57 =	vmin.f32 v4, v57;
	[tilespmem:$0x1FD50] =	vst v9;
	v9 =	vld [tilespmem:s1+$0xFFFFF6B0]  }
0x16a: {  	v53 =	vld [tilespmem:s1+$0xFFFFF6E0];
	v24 =	vmax.f32 v3, v31;
	v58 =	vmax.f32 v5, v62;
	v62 =	vmin.f32 v0, v42  }
0x16b: {  	v42 =	vmin.f32 v0, v44;
	v22 =	vmax.f32 v5, v17;
	v17 =	vmax.f32 v3, v16;
	v26 =	vld [tilespmem:s1+$0x40]  }
0x16c: {  	v38 =	vmin.f32 v0, v40;
	v40 =	vmin.f32 v4, v40;
	v63 =	vmax.f32 v1, v25;
	[tilespmem:$0x1FDB0] =	vst v11;
	v11 =	vld [tilespmem:s1+$0xFFFFF9D0]  }
0x16d: {  	v29 =	vmax.f32 v5, v25;
	v62 =	vsub.f32 v62, v63;
	v51 =	vsub.f32 v51, v52;
	v52 =	vld [tilespmem:$0x1FBE0]  }
0x16e: {  	v63 =	vmax.f32 v5, v9;
	[tilespmem:$0x1FC70] =	vst v47;
	v47 =	vmax.f32 v1, v9;
	v9 =	vsub.f32 v48, v29;
	v29 =	vld [tilespmem:s1+$0xFFFFF9C0]  }
0x16f: {  	v19 =	vmax.f32 v3, v13;
	v15 =	vmax.f32 v1, v53;
	v53 =	vmax.f32 v5, v53  }
0x170: {  	v45 =	vsub.f32 v34, v22;
	v34 =	vsub.f32 v57, v53;
	v30 =	vmin.f32 v2, v26  }
0x171: {  	s0 =	sadd.s32 $0xA0, s0;
	v43 =	vld [tilespmem:s1+$0xFFFFFD00];
	v28 =	vmin.f32 v6, v26;
	v26 =	vmax.f32 v7, v16;
	v16 =	vmax.f32 v1, v27  }
0x172: {  	s19 =	sand.u32 $0x7F0, s0;
	v44 =	vld [tilespmem:s1+$0xFFFFFCF0];
	v27 =	vmax.f32 v5, v27;
	v53 =	vsub.f32 v38, v16;
	v32 =	vsub.f32 v52, v32  }
0x173: {  	v55 =	vmax.f32 v3, v11;
	v16 =	vmax.f32 v3, v29;
	v3 =	vsub.f32 v40, v27;
	v27 =	vld [tilespmem:s19+$0x2280]  }
0x174: {  	[tilespmem:$0x1FCB0] =	vst v32;
	v32 =	vld [tilespmem:s1+$0xFFFFFCE0];
	_ =	sdelay $0x3  }
0x175: {  	v35 =	vmin.f32 v0, v43;
	[tilespmem:$0x1FC60] =	vst v10;
	v10 =	vmin.f32 v0, v44  }
0x176: {  	vm0 =	veq.f32 v12, v27;
	v22 =	vmin.f32 v0, v32;
	v0 =	vimm.s32 $0x0  }
0x177: {  	v0 =	vsel vm0, $0xFFFFFFFF, v0  }
0x178: {  	vm0 =	veq.f32 v14, v27;
	[tilespmem:$0x1FE30] =	vst v0;
	v0 =	vimm.s32 $0x0  }
0x179: {  	v0 =	vsel vm0, $0xFFFFFFFF, v0  }
0x17a: {  	[tilespmem:$0x1FE40] =	vst v0;
	v0 =	vld [tilespmem:$0x1FC40];
	_ =	sdelay $0x3  }
0x17b: {  	v23 =	vld [tilespmem:s1+$0x30]  }
0x17c: {  	v27 =	vmax.f32 v0, $0.0e+00;
	v0 =	vld [tilespmem:$0x1FC50];
	_ =	sdelay $0x1  }
0x17d: {  	v60 =	vsub.f32 v60, v61;
	v61 =	vld [tilespmem:s1+$0x0]  }
0x17e: {  	v46 =	vmin.f32 v6, v46;
	v31 =	vmax.f32 v7, v31;
	v39 =	vld [tilespmem:s1+$0xFFFFF6C0]  }
0x17f: {  	s18 =	sadd.s32 $0xFFFFFFF0, s0;
	v25 =	vmin.f32 v2, v23;
	v23 =	vmin.f32 v6, v23;
	v48 =	vsub.f32 v42, v33;
	v52 =	vld [tilespmem:$0x1FBF0]  }
0x180: {  	s5 =	sand.u32 $0x7E0, s18;
	v33 =	vsub.f32 v46, v50;
	v50 =	vsub.f32 v30, v17;
	v30 =	vmax.f32 v0, $0.0e+00;
	v0 =	vld [tilespmem:$0x1FC60]  }
0x181: {  	v23 =	vsub.f32 v23, v31;
	v31 =	vld [tilespmem:s5+$0x2280]  }
0x182: {  	[tilespmem:$0x1FD40] =	vst v8;
	v8 =	vld [tilespmem:s1+$0x10]  }
0x183: {  	v49 =	vsub.f32 v49, v41;
	v43 =	vmin.f32 v4, v43;
	v19 =	vsub.f32 v21, v19;
	v42 =	vld [tilespmem:$0x1FC20]  }
0x184: {  	v18 =	vmax.f32 v1, v39;
	v39 =	vmax.f32 v5, v39;
	v56 =	vsub.f32 v52, v56;
	v52 =	vld [tilespmem:$0x1FC00]  }
0x185: {  	v17 =	vmin.f32 v2, v61;
	v46 =	vsub.f32 v25, v24;
	v24 =	vmax.f32 v0, $0.0e+00;
	v0 =	vld [tilespmem:$0x1FC70]  }
0x186: {  	v21 =	vsub.f32 v43, v39;
	v43 =	vsub.f32 v17, v16;
	v16 =	vmax.f32 v33, $0.0e+00;
	v33 =	vld [tilespmem:$0x1FCD0]  }
0x187: {  	v17 =	vmax.f32 v60, $0.0e+00;
	v60 =	vmax.f32 v45, $0.0e+00;
	v45 =	vmax.f32 v3, $0.0e+00;
	v3 =	vld [tilespmem:$0x1FD60]  }
0x188: {  	v13 =	vmax.f32 v7, v13;
	v41 =	vmin.f32 v6, v8;
	[tilespmem:$0x1FCA0] =	vst v51;
	v51 =	vmin.f32 v2, v8;
	v8 =	vld [tilespmem:$0x1FC10]  }
0x189: {  	s22 =	sadd.s32 $0xFFFFFFD0, s0;
	v59 =	vsub.f32 v59, v15;
	vm5 =	veq.f32 v12, v31;
	v52 =	vsub.f32 v52, v58;
	v58 =	vld [tilespmem:s1+$0xFFFFF6A0]  }
0x18a: {  	s9 =	sand.u32 $0x7E0, s22;
	vm4 =	veq.f32 v14, v31;
	v11 =	vmax.f32 v7, v11;
	v31 =	vmax.f32 v0, $0.0e+00;
	v0 =	vld [tilespmem:$0x1FC80]  }
0x18b: {  	v18 =	vsub.f32 v35, v18;
	v11 =	vsub.f32 v41, v11;
	v44 =	vmin.f32 v4, v44;
	v2 =	vld [tilespmem:s9+$0x2280]  }
0x18c: {  	v25 =	vmovc v37;
	v37 =	vmin.f32 v4, v32;
	v4 =	vsub.f32 v10, v47;
	v10 =	vmax.f32 v7, v29;
	v7 =	vld [tilespmem:$0x1FC30]  }
0x18d: {  	v61 =	vmin.f32 v6, v61;
	v29 =	vsub.f32 v51, v55;
	v47 =	vmax.f32 v23, $0.0e+00;
	v23 =	vld [tilespmem:$0x1FD00]  }
0x18e: {  	v55 =	vmax.f32 v18, $0.0e+00;
	v18 =	vmax.f32 v43, $0.0e+00;
	v43 =	vld [tilespmem:$0x1FD30];
	v57 =	vmax.f32 v5, v58  }
0x18f: {  	v10 =	vsub.f32 v61, v10;
	v35 =	vsub.f32 v37, v57;
	v37 =	vmax.f32 v0, $0.0e+00;
	v0 =	vld [tilespmem:$0x1FC90]  }
0x190: {  	v61 =	vmax.f32 v62, $0.0e+00;
	v62 =	vmax.f32 v48, $0.0e+00;
	v48 =	vmax.f32 v34, $0.0e+00;
	v34 =	vld [tilespmem:$0x1FCE0]  }
0x191: {  	v41 =	vmax.f32 v54, $0.0e+00;
	v40 =	vsub.f32 v44, v63;
	v54 =	vmax.f32 v29, $0.0e+00;
	v29 =	vld [tilespmem:$0x1FD10]  }
0x192: {  	v63 =	vmax.f32 v46, $0.0e+00;
	v46 =	vmax.f32 v21, $0.0e+00;
	v21 =	vmax.f32 v10, $0.0e+00;
	v10 =	vld [tilespmem:$0x1FD70]  }
0x193: {  	s20 =	sadd.s32 $0xFFFFFFE0, s0;
	v8 =	vsub.f32 v8, v42;
	v42 =	vmax.f32 v52, $0.0e+00;
	v52 =	vmax.f32 v4, $0.0e+00;
	v4 =	vld [tilespmem:$0x1FD90]  }
0x194: {  	s18 =	sand.u32 $0x7F0, s20;
	s23 =	sadd.s32 $0xFFFFFFC0, s0;
	v26 =	vsub.f32 v28, v26;
	vm6 =	veq.f32 v12, v2;
	v38 =	vmax.f32 v0, $0.0e+00;
	v0 =	vld [tilespmem:$0x1FCA0]  }
0x195: {  	s5 =	sand.u32 $0x7F0, s23;
	vm7 =	veq.f32 v14, v2;
	v2 =	vmax.f32 v36, $0.0e+00;
	v15 =	vmax.f32 v1, v58;
	v58 =	vld [tilespmem:s18+$0x2280]  }
0x196: {  	v5 =	vsub.f32 v20, v13;
	v13 =	vld [tilespmem:s5+$0x2280];
	v22 =	vsub.f32 v22, v15;
	v6 =	vmul.f32 v31, v24  }
0x197: {  	v44 =	vmax.f32 v56, $0.0e+00;
	v56 =	vmax.f32 v19, $0.0e+00;
	v15 =	vmax.f32 v8, $0.0e+00;
	v8 =	vld [tilespmem:$0x1FCC0]  }
0x198: {  	v51 =	vmax.f32 v40, $0.0e+00;
	v20 =	vmax.f32 v22, $0.0e+00;
	v22 =	vsub.f32 v4, v6;
	v4 =	vld [tilespmem:$0x1FDA0]  }
0x199: {  	v41 =	vmul.f32 v44, v41;
	v1 =	vmax.f32 v9, $0.0e+00;
	v39 =	vmax.f32 v0, $0.0e+00;
	v0 =	vld [tilespmem:$0x1FCB0]  }
0x19a: {  	p1 =	slt.u32 s26, $0x28;
	v57 =	vmax.f32 v59, $0.0e+00;
	v59 =	vmax.f32 v50, $0.0e+00;
	v19 =	vmax.f32 v35, $0.0e+00;
	v35 =	vld [tilespmem:$0x1FD40]  }
.Ltmp4:
0x19b: {  	v50 =	vmax.f32 v5, $0.0e+00;
	v30 =	vmul.f32 v30, v27;
	v27 =	vld [tilespmem:$0x1FD20];
	v36 =	vmul.f32 v38, v37;
	(pc) =	sbr.rel @p1 .LBB2_5-.Ltmp4, $4  }
0x19c: {  	vm3 =	veq.f32 v12, v58;
	vm8 =	veq.f32 v14, v58;
	vm9 =	veq.f32 v12, v13;
	v38 =	vld [tilespmem:$0x1FD50]  }
0x19d: {  	v58 =	vmax.f32 v53, $0.0e+00;
	v3 =	vsub.f32 v3, v30;
	v24 =	vsub.f32 v4, v36;
	v4 =	vld [tilespmem:$0x1FDB0]  }
0x19e: {  	v32 =	vmax.f32 v0, $0.0e+00;
	v0 =	vmax.f32 v49, $0.0e+00;
	v49 =	vmax.f32 v26, $0.0e+00;
	v26 =	vld [tilespmem:$0x1FCF0]  }
0x19f: {  	s25 =	smov.u32 s26;
	s26 =	sadd.s32 $0xA, s26;
	v53 =	vmax.f32 v11, $0.0e+00;
	(erf) = vrcp.f32 v3;
	v11 =	vmul.f32 v32, v39;
	v32 =	vld [tilespmem:$0x1FD80]  }
.LBB2_6:
0x1a0: {  	v3 =	vld [tilespmem:$0x1FDC0];
	_ =	sdelay $0x3  }
0x1a1: {  	v5 =	vmul.f32 v17, v42  }
0x1a2: {  	(erf) = vrcp.f32 v22;
	v9 =	vmul.f32 v0, v61;
	v3 =	vsub.f32 v3, v11  }
0x1a3: {  	v22 =	vsub.f32 v8, v41;
	v8 =	vmul.f32 v15, v1;
	(erf) = vrcp.f32 v24  }
0x1a4: {  	v12 =	vmul.f32 v2, v62;
	v28 =	vsub.f32 v7, v5;
	(erf) = vrcp.f32 v3  }
0x1a5: {  	v40 =	vmovc v13;
	v13 =	vmul.f32 v16, v60;
	v29 =	vsub.f32 v29, v9;
	(erf) = vrcp.f32 v22  }
0x1a6: {  	v1 =	vmul.f32 v59, v57;
	v31 =	vsub.f32 v10, v8;
	(erf) = vrcp.f32 v28  }
0x1a7: {  	v2 =	vmul.f32 v63, v58;
	v42 =	vsub.f32 v23, v12;
	(erf) = vrcp.f32 v29  }
0x1a8: {  	v57 =	vmul.f32 v18, v20;
	v44 =	vsub.f32 v32, v13;
	(erf) = vrcp.f32 v31  }
0x1a9: {  	v39 =	vmovc v6;
	v59 =	vmul.f32 v21, v19;
	v58 =	vsub.f32 v33, v1;
	(erf) = vrcp.f32 v42  }
0x1aa: {  	v15 =	vmul.f32 v56, v55;
	v60 =	vsub.f32 v34, v2;
	v6 =	vpop (erf);
	(erf) = vrcp.f32 v44  }
0x1ab: {  	v62 =	vmul.f32 v54, v52;
	s1 =	sadd.s32 $0xFFFFFF70, s0;
	v14 =	vsub.f32 v35, v57;
	v7 =	vpop (erf);
	(erf) = vrcp.f32 v58  }
0x1ac: {  	v63 =	vmul.f32 v53, v51;
	s1 =	sand.u32 $0x3E0, s1;
	v61 =	vsub.f32 v4, v59;
	v4 =	vpop (erf);
	(erf) = vrcp.f32 v60  }
0x1ad: {  	s20 =	sadd.s32 $0xFFFFFF90, s0;
	v35 =	vsub.f32 v25, v15;
	v23 =	vmul.f32 v47, v45;
	v45 =	vld [tilespmem:s1+$0x2280];
	(erf) = vrcp.f32 v14;
	v10 =	vpop (erf)  }
0x1ae: {  	v37 =	vsub.f32 v43, v62;
	s1 =	sand.u32 $0x7E0, s20;
	v28 =	vld [tilespmem:$0x1FEC0];
	(erf) = vrcp.f32 v61;
	v16 =	vpop (erf)  }
0x1af: {  	v21 =	vmul.f32 v49, v48;
	s5 =	sadd.s32 $0xFFFFFF80, s0;
	v38 =	vsub.f32 v38, v63;
	v52 =	vld [tilespmem:s1+$0x2280];
	v20 =	vpop (erf);
	(erf) = vrcp.f32 v35  }
0x1b0: {  	s19 =	sand.u32 $0x3F0, s5;
	v18 =	vpop (erf);
	(erf) = vrcp.f32 v37;
	v37 =	vld [tilespmem:$0x1FEF0]  }
0x1b1: {  	v43 =	vsub.f32 v26, v21;
	v31 =	vld [tilespmem:s19+$0x2280];
	v42 =	vmul.f32 v50, v46;
	v19 =	vpop (erf);
	(erf) = vrcp.f32 v38  }
0x1b2: {  	v44 =	vsub.f32 v27, v23;
	v5 =	vmul.f32 v20, v5;
	v38 =	vld [tilespmem:$0x1FE70];
	v9 =	vmul.f32 v18, v9;
	v22 =	vpop (erf)  }
0x1b3: {  	v28 =	vsub.f32 v28, v42;
	(erf) = vrcp.f32 v43;
	v8 =	vmul.f32 v19, v8;
	v27 =	vpop (erf)  }
0x1b4: {  	v51 =	vld [tilespmem:$0x1FFA0];
	v12 =	vmul.f32 v22, v12;
	v46 =	vpop (erf);
	(erf) = vrcp.f32 v44  }
0x1b5: {  	v54 =	vld [tilespmem:$0x1FFD0];
	v13 =	vmul.f32 v27, v13;
	v47 =	vpop (erf);
	(erf) = vrcp.f32 v28;
	vm0 =	veq.f32 v37, v45  }
0x1b6: {  	vm10 =	veq.f32 v37, v31;
	vm14 =	veq.f32 v37, v52;
	v1 =	vmul.f32 v46, v1;
	v48 =	vpop (erf)  }
0x1b7: {  	v58 =	vld [tilespmem:$0x1FFE0];
	vm2 =	veq.f32 v38, v45;
	v2 =	vmul.f32 v47, v2;
	v49 =	vpop (erf);
	v0 =	vmul.f32 v48, v57  }
0x1b8: {  	vm12 =	veq.f32 v38, v31;
	v57 =	vld [tilespmem:$0x1FFC0];
	v3 =	vmul.f32 v49, v59;
	v50 =	vpop (erf);
	v49 =	vmul.f32 v16, v41  }
0x1b9: {  	s22 =	sadd.s32 $0xFFFFFFA0, s0;
	vm1 =	vgt.f32 v0, v51;
	v53 =	vpop (erf);
	v15 =	vmul.f32 v50, v15;
	v50 =	vmul.f32 v4, v36  }
0x1ba: {  	s1 =	sand.u32 $0x7F0, s22;
	vm0 =	vmand vm0, vm1;
	vm15 =	vgt.f32 v3, v54;
	v17 =	vmul.f32 v53, v62;
	v55 =	vpop (erf)  }
0x1bb: {  	v59 =	vld [tilespmem:s1+$0x2280];
	v53 =	vmul.f32 v7, v39;
	vm1 =	vmand vm2, vm15;
	v14 =	vmul.f32 v55, v63  }
0x1bc: {  	v0 =	vsel vm0, v0, v51;
	v34 =	vsel vm0, s25, v58;
	v51 =	vmul.f32 v10, v11  }
0x1bd: {  	v56 =	vpop (erf);
	v3 =	vsel vm1, v3, v54;
	v33 =	vsel vm1, s25, v57;
	vm11 =	vgt.f32 v17, v0  }
0x1be: {  	s26 =	sadd.s32 $0x1, s25;
	v60 =	vpop (erf);
	vm0 =	vmand vm10, vm11;
	vm13 =	vgt.f32 v14, v3;
	vm10 =	veq.f32 v38, v52  }
0x1bf: {  	s23 =	sadd.s32 $0xFFFFFFB0, s0;
	vm1 =	vmand vm12, vm13;
	v61 =	vpop (erf);
	v0 =	vsel vm0, v17, v0;
	v63 =	vsel vm0, s26, v34  }
0x1c0: {  	s0 =	sand.u32 $0x7E0, s23;
	vm12 =	veq.f32 v37, v59;
	v23 =	vmul.f32 v60, v23;
	v24 =	vmul.f32 v61, v42  }
0x1c1: {  	v3 =	vsel vm1, v14, v3;
	v62 =	vsel vm1, s26, v33;
	vm15 =	vgt.f32 v15, v0;
	v33 =	vld [tilespmem:s0+$0x2280]  }
0x1c2: {  	v42 =	vmul.f32 v56, v21;
	vm0 =	vmand vm14, vm15;
	vm11 =	vgt.f32 v24, v3  }
0x1c3: {  	s5 =	sadd.s32 $0x2, s25;
	vm14 =	veq.f32 v38, v59;
	v0 =	vsel vm0, v15, v0;
	vm1 =	vmand vm10, vm11  }
0x1c4: {  	v34 =	vsel vm0, s5, v63;
	vm13 =	vgt.f32 v2, v0;
	v3 =	vsel vm1, v24, v3  }
0x1c5: {  	v14 =	vsel vm1, s5, v62;
	vm0 =	vmand vm12, vm13;
	vm15 =	vgt.f32 v23, v3  }
0x1c6: {  	s9 =	sadd.s32 $0x3, s25;
	vm10 =	veq.f32 v37, v33;
	v0 =	vsel vm0, v2, v0;
	vm1 =	vmand vm14, vm15  }
0x1c7: {  	v45 =	vsel vm0, s9, v34;
	vm11 =	vgt.f32 v1, v0;
	v43 =	vsel vm1, v23, v3  }
0x1c8: {  	vm12 =	veq.f32 v38, v33;
	vm0 =	vmand vm10, vm11;
	vm13 =	vgt.f32 v42, v43  }
0x1c9: {  	v44 =	vsel vm1, s9, v14;
	v0 =	vsel vm0, v1, v0;
	vm1 =	vmand vm12, vm13  }
0x1ca: {  	s18 =	sadd.s32 $0x4, s25;
	vm14 =	veq.f32 v38, v40;
	vm15 =	vgt.f32 v12, v0;
	v46 =	vsel vm1, v42, v43  }
0x1cb: {  	v54 =	vld [tilespmem:$0x1FE30];
	v48 =	vsel vm0, s18, v45;
	vm0 =	vmand vm9, vm15;
	vm9 =	vgt.f32 v13, v46  }
0x1cc: {  	v55 =	vld [tilespmem:$0x1FE40];
	v47 =	vsel vm1, s18, v44;
	v0 =	vsel vm0, v12, v0;
	vm1 =	vmand vm14, vm9  }
0x1cd: {  	s19 =	sadd.s32 $0x5, s25;
	v52 =	vmul.f32 v6, v30;
	vm10 =	vgt.f32 v9, v0;
	v1 =	vsel vm1, v13, v46  }
0x1ce: {  	v2 =	vsel vm1, s19, v47;
	vm1 =	vmand vm6, vm10;
	vm11 =	vgt.f32 v8, v1  }
0x1cf: {  	v56 =	vld [tilespmem:$0x1FF90];
	v3 =	vsel vm0, s19, v48;
	v0 =	vsel vm1, v9, v0;
	vm2 =	vmand vm7, vm11  }
0x1d0: {  	vm9 =	vnez.u8 v54;
	vm12 =	vgt.f32 v49, v0;
	v1 =	vsel vm2, v8, v1  }
0x1d1: {  	s20 =	sadd.s32 $0x6, s25;
	vm10 =	vnez.u8 v55;
	vm0 =	vmand vm3, vm12;
	vm13 =	vgt.f32 v5, v1  }
0x1d2: {  	v57 =	vld [tilespmem:$0x1FFB0];
	v3 =	vsel vm1, s20, v3;
	v0 =	vsel vm0, v49, v0;
	vm3 =	vmand vm8, vm13  }
0x1d3: {  	v2 =	vsel vm2, s20, v2;
	vm14 =	vgt.f32 v50, v0;
	v1 =	vsel vm3, v5, v1  }
0x1d4: {  	s22 =	sadd.s32 $0x7, s25;
	vm12 =	vgt.f32 v56, $0.0e+00;
	vm15 =	vmand vm5, vm14;
	vm6 =	vgt.f32 v51, v1  }
0x1d5: {  	v3 =	vsel vm0, s22, v3;
	v0 =	vsel vm15, v50, v0;
	vm2 =	vmand vm4, vm6  }
0x1d6: {  	v2 =	vsel vm3, s22, v2;
	vm7 =	vgt.f32 v52, v0;
	v1 =	vsel vm2, v51, v1  }
0x1d7: {  	s23 =	sadd.s32 $0x8, s25;
	vm14 =	vgt.f32 v57, $0.0e+00;
	vm0 =	vmand vm9, vm7;
	vm8 =	vgt.f32 v53, v1  }
0x1d8: {  	v2 =	vsel vm2, s23, v2;
	v0 =	vsel vm0, v52, v0;
	vm2 =	vmand vm10, vm8  }
0x1d9: {  	s25 =	sadd.s32 $0x9, s25;
	v3 =	vsel vm15, s23, v3;
	vm11 =	vgt.f32 v0, $5.000000000e-01;
	v1 =	vsel vm2, v53, v1  }
0x1da: {  	v3 =	vsel vm0, s25, v3;
	vm0 =	vmand vm12, vm11;
	vm13 =	vgt.f32 v1, $5.000000000e-01  }
0x1db: {  	s29 =	sadd.s32 $0x1, s29;
	s26 =	sand.u32 $0x380, s30;
	v58 =	vsel vm2, s25, v2;
	v59 =	vnsel vm0, $0x40, v3;
	vm15 =	vmand vm14, vm13  }
0x1dc: {  	p1 =	sne.s32 s29, $0x14;
	s0 =	sor.u32 s26, s31;
	[tilespmem:s30+$0x2900] =	vst v59;
	v0 =	vnsel vm15, $0x40, v58  }
.Ltmp5:
0x1dd: {  	v60 =	vnsel vm12, $0x0, v56;
	[tilespmem:s0+$0x2900] =	vst v0;
	(pc) =	sbr.rel @p1 .LBB2_4-.Ltmp5, $4  }
0x1de: {  	v61 =	vnsel vm14, $0x0, v57;
	[tilespmem:s30+$0x3580] =	vst v60  }
0x1df: {  	v62 =	vnsel vm12, $0x0, v37;
	[tilespmem:s0+$0x3580] =	vst v61  }
0x1e0: {  	v63 =	vnsel vm14, $0x0, v38;
	[tilespmem:s30+$0x3800] =	vst v62  }
0x1e1: {  	[tilespmem:s0+$0x3800] =	vst v63  }
0x1e2: {  	s0 =	simm.s32 $0x2900  }
0x1e3: {  	[spmem:s6] =	stream.strided.scatter [tilespmem:s0], [sflag:$0x1], $0x280, s17, s15, $0x38;
	[tilespmem:$0x3D00] =	vst v63  }
0x1e4: {  	_ =	swait.ge [sflag:s21], $0x280  }
0x1e5: {  	[sflag:s21] =	ssyncset.done $0x0  }
0x1e6: {  	s31 =	simm.s32 $0x3580;
	[sflag:s21] =	ssyncadd.s32 $0xFFFFFD80  }
0x1e7: {  	[hbm4b:s7+s15] =	stream.strided.scatter [tilespmem:s31], [sflag:$0x1], $0x280, s17, s15, $0x38;
	[tilespmem:$0x3D00] =	vst v63  }
0x1e8: {  	_ =	swait.ge [sflag:s21], $0x280  }
0x1e9: {  	[sflag:s21] =	ssyncset.done $0x0  }
0x1ea: {  	[sflag:s21] =	ssyncadd.s32 $0xFFFFFD80  }
0x1eb: {  	[hbm4b:s8+s15] =	stream.strided.scatter [tilespmem:s24], [sflag:$0x1], $0x280, s17, s15, $0x38;
	[tilespmem:$0x3D00] =	vst v63  }
.Ltmp6:
0x1ec: {  	_ =	swait.ge [sflag:s21], $0x280;
	(pc) =	sbr.rel @p0 .LBB2_11-.Ltmp6, $4  }
0x1ed: {  	[sflag:s21] =	ssyncset.done $0x0  }
0x1ee: {  	[sflag:s21] =	ssyncadd.s32 $0xFFFFFD80  }
0x1ef: {  	[bflag:$0x0] =	sbarrier.arrive $0xFFFF  }
0x1f0: {  	v4 =	vimm.s32 $0x1;
	v5 =	vimm.s32 $0x0;
	v3 =	vld [tilespmem:$0x1FFF0]  }
0x1f1: {  	s0 =	rddreg [dreg:$0x6];
	s1 =	simm.s32 $0x2B80  }
0x1f2: {  	[tilespmem:s1], [sflag:$0x1] =	stream.strided.gather [spmem:s0], $0x500, s17, s15, $0x38;
	[tilespmem:$0x3D00] =	vst v63  }
0x1f3: {  	_ =	swait.ge [sflag:s21], $0x500  }
0x1f4: {  	[sflag:s21] =	ssyncset.done $0x0  }
0x1f5: {  	s31 =	simm.s32 $0x0;
	[sflag:s21] =	ssyncadd.s32 $0xFFFFFB00  }
0x1f6: {  	v0 =	vld [tilespmem:s31+$0x2B80];
	_ =	sdelay $0x4  }
0x1f7: {  	v0 =	vperm.xlane v0, v3  }
0x1f8: {  	s0 =	simm.s32 $0x0  }
0x1f9: {  	v2 =	vmov s0;
	v1 =	vand.u32 $0x1F, v0;
	vm0 =	vlt.s32 v0, $0x20  }
0x1fa: {  	v2 =	vsel vm0, s0, v2;
	v1 =	vshll.u32 v4, v1  }
0x1fb: {  	v2 =	vand.u32 v1, v2  }
0x1fc: {  	vm2 =	vlt.s32 v0, $0x40;
	vm1 =	veq.s32 v2, $0x0  }
0x1fd: {  	vm1 =	vmand vm2, vm1  }
0x1fe: {  	(xrf1) =	vunique.msk.u32 vm1, v0;
	_ =	sdelay $0xd  }
0x1ff: {  	_, v0, vm15 =	vpop (xrf1)  }
0x200: {  	vm1 =	vmand vm1, vm15  }
0x201: {  	v0 =	vnsel vm1, $0x0, v1  }
0x202: {  	v1 =	vsel vm0, $0x0, v0  }
0x203: {  	v0 =	vnsel vm0, $0x0, v0;
	(xrf0) =	vadd.scan.msk.s32 $0xffff, v1  }
0x204: {  	(xrf0) =	vadd.scan.msk.s32 $0xffff, v0;
	_ =	sdelay $0x4  }
0x205: {  	v1, _, _ =	vpop (xrf0)  }
0x206: {  	v2, _, _ =	vpop (xrf0);
	(v2sf) =	vpush v1, $0xF  }
0x207: {  	(v2sf) =	vpush v2, $0xF;
	_ =	sdelay $0x4  }
0x208: {  	v0 =	vsel vm1, $0x1, v5  }
0x209: {  	v0 =	vperm.xlane v0, v3;
	_ =	sdelay $0x1  }
0x20a: {  	s25 =	simm.s32 $0x80;
	s9 =	simm.s32 $0x0;
	s1 =	simm.s32 $0x10;
	[tilespmem:s31+$0x3080] =	vst v0  }
.LBB2_9:
0x20b: {  	p1 =	sne.s32 s25, $0x13C0;
	v0 =	vld [tilespmem:s1+$0x2B80];
	_ =	sdelay $0x4  }
0x20c: {  	v0 =	vperm.xlane v0, v3;
	s5 =	spop (v2sf)  }
0x20d: {  	s0 =	sor.u32 s0, s5;
	s5 =	spop (v2sf)  }
0x20e: {  	v1 =	vand.u32 $0x1F, v0;
	vm0 =	vlt.s32 v0, $0x20;
	v2 =	vmov s0;
	s9 =	sor.u32 s9, s5  }
0x20f: {  	v2 =	vsel vm0, s9, v2;
	v1 =	vshll.u32 v4, v1  }
0x210: {  	v2 =	vand.u32 v1, v2  }
0x211: {  	vm2 =	vlt.s32 v0, $0x40;
	vm1 =	veq.s32 v2, $0x0  }
0x212: {  	vm1 =	vmand vm2, vm1  }
0x213: {  	(xrf1) =	vunique.msk.u32 vm1, v0;
	_ =	sdelay $0xd  }
0x214: {  	_, v0, vm2 =	vpop (xrf1)  }
0x215: {  	vm1 =	vmand vm1, vm2  }
0x216: {  	v0 =	vnsel vm1, $0x0, v1;
	v1 =	vsel vm1, $0x1, v5  }
0x217: {  	v2 =	vnsel vm0, $0x0, v0;
	v0 =	vsel vm0, $0x0, v0;
	v1 =	vperm.xlane v1, v3  }
0x218: {  	(xrf0) =	vadd.scan.msk.s32 $0xffff, v0  }
0x219: {  	[tilespmem:s1+$0x3080] =	vst v1;
	(xrf0) =	vadd.scan.msk.s32 $0xffff, v2;
	_ =	sdelay $0x4  }
0x21a: {  	v0, _, _ =	vpop (xrf0)  }
0x21b: {  	v1, _, _ =	vpop (xrf0);
	(v2sf) =	vpush v0, $0xF  }
0x21c: {  	(v2sf) =	vpush v1, $0xF;
	_ =	sdelay $0x3  }
.Ltmp7:
0x21d: {  	(pc) =	sbr.rel @p1 .LBB2_9-.Ltmp7, $2  }
0x21e: {  	_ =	sdelay $0x2  }
0x21f: {  	s1 =	sshra.s32 s25, $0x2;
	s25 =	sadd.s32 $0x40, s25  }
0x220: {  	v0 =	vld [tilespmem:s1+$0x2B80];
	_ =	sdelay $0x4  }
0x221: {  	v0 =	vperm.xlane v0, v3;
	s5 =	spop (v2sf)  }
0x222: {  	s0 =	sor.u32 s0, s5;
	s25 =	spop (v2sf)  }
0x223: {  	v1 =	vand.u32 $0x1F, v0;
	vm0 =	vlt.s32 v0, $0x20;
	v2 =	vmov s0;
	s26 =	sor.u32 s9, s25  }
0x224: {  	v2 =	vsel vm0, s26, v2;
	v1 =	vshll.u32 v4, v1  }
0x225: {  	v2 =	vand.u32 v1, v2  }
0x226: {  	vm2 =	vlt.s32 v0, $0x40;
	vm1 =	veq.s32 v2, $0x0  }
0x227: {  	vm1 =	vmand vm2, vm1  }
0x228: {  	(xrf1) =	vunique.msk.u32 vm1, v0;
	_ =	sdelay $0xd  }
0x229: {  	_, v0, vm15 =	vpop (xrf1)  }
0x22a: {  	vm1 =	vmand vm1, vm15  }
0x22b: {  	v0 =	vnsel vm1, $0x0, v1  }
0x22c: {  	v1 =	vsel vm0, $0x0, v0  }
0x22d: {  	v0 =	vnsel vm0, $0x0, v0;
	(xrf0) =	vadd.scan.msk.s32 $0xffff, v1  }
0x22e: {  	(xrf0) =	vadd.scan.msk.s32 $0xffff, v0;
	_ =	sdelay $0x4  }
0x22f: {  	v61, _, _ =	vpop (xrf0)  }
0x230: {  	v62, _, _ =	vpop (xrf0);
	(v2sf) =	vpush v61, $0xF  }
0x231: {  	(v2sf) =	vpush v62, $0xF;
	_ =	sdelay $0x8  }
0x232: {  	v63 =	vsel vm1, $0x1, v5  }
0x233: {  	v0 =	vperm.xlane v63, v3;
	_ =	sdelay $0x1  }
0x234: {  	s31 =	simm.s32 $0x3080;
	s0 =	rddreg [dreg:$0x7];
	[tilespmem:s1+$0x3080] =	vst v0  }
0x235: {  	[hbm4b:s0+s15] =	stream.strided.scatter [tilespmem:s31], [sflag:$0x1], $0x500, s17, s15, $0x38;
	[tilespmem:$0x3D00] =	vst v63  }
.Ltmp8:
0x236: {  	s29 =	spop (v2sf);
	(pc) =	sbr.rel .LBB2_11-.Ltmp8, $4  }
0x237: {  	s30 =	spop (v2sf)  }
0x238: {  	_ =	swait.ge [sflag:s21], $0x500  }
0x239: {  	[sflag:s21] =	ssyncset.done $0x0  }
0x23a: {  	[sflag:s21] =	ssyncadd.s32 $0xFFFFFB00  }
.LBB2_12:
0x23b: {  	_ =	sfence.sel $0x180000  }
0x23c: {  	[bflag:$0x0] =	sbarrier.arrive $0xFFFF  }
0x23d: {  	_ =	strace $0x90000047  }
0x23e: {  	s0 =	stileid.u32;
	[bflag:$0x2] =	sbarrier.arrive $0xFFFF  }
0x23f: {  	p0 =	sne.s32 s0, $0x0;
	s0 =	rddreg [dreg:$0x5]  }
0x240: {  	s0 =	sadd.s32 @!p0 $0x100000, s0  }
0x241: {  	[sflag:s0] =	ssyncadd.tile.s32 @!p0 $0x1;
	_ =	shalt  }
.Lfunc_end2:
_tile_overlayer_lowered:
.L_overlay_start_2:
0x242: {  	(tag) =	ssettag $0x2  }
0x243: {  	s0 =	rddreg [dreg:$0x0];
	s2 =	stileid.u32  }
0x244: {  	s1 =	rddreg [dreg:$0x1];
	p0 =	sne.s32 s2, $0x0  }
0x245: {  	s3 =	rddreg [dreg:$0x2];
	[bflag:$0x3] =	sbarrier.arrive $0xFFFF;
	s2 =	simm.s32 @!p0 $0x1C01  }
0x246: {  	[timem:s3], [sflag:s2] =	dma.local @!p0 [hbm:s0], s1  }
0x247: {  	s0 =	simm.s32 @!p0 $0x1  }
0x248: {  	_ =	swait.ge @!p0 [sflag:s0], s1  }
0x249: {  	s1 =	ssub.s32 @!p0 $0x0, s1;
	[sflag:s0] =	ssyncset.done @!p0 $0x0  }
0x24a: {  	[sflag:s0] =	ssyncadd.s32 @!p0 s1  }
0x24b: {  	[bflag:$0x3] =	sbarrier.arrive $0xFFFF  }
0x24c: {  	_ =	shalt  }

</sc_bundles>
